<compile_context>
chip_gen: v7x
topology: tpu7x:2x2x1
jax: 0.10.2.dev20260603
libtpu: 0.0.44.dev20260713+nightly
codegen_flags: <defaults>
</compile_context>

<pallas_src>
import functools

import jax
import jax.numpy as jnp
import numpy as np
from jax.experimental import pallas as pl
from jax.experimental.pallas import tpu as pltpu

DIM = 512
N_SLOTS = 16384
K_TOP = 16
DECAY = 0.995
BUCKETS = 64
B = 1024
BSLOTS = N_SLOTS // BUCKETS
RB = 128
NRB = B // RB

_HI = jax.lax.Precision.HIGHEST


def _dot(a, b, dims):
    return jax.lax.dot_general(a, b, (dims, ((), ())), precision=_HI,
                               preferred_element_type=jnp.float32)


def _dot_d(a, b, dims):
    return jax.lax.dot_general(a, b, (dims, ((), ())),
                               preferred_element_type=jnp.float32)


@functools.lru_cache(maxsize=1)
def _dft_mats():
    t = np.arange(DIM, dtype=np.int64)
    idx = (t[:, None] * t[None, :]) % DIM
    ang = 2.0 * np.pi * idx.astype(np.float64) / DIM
    cos = np.cos(ang).astype(np.float32)
    sin = np.sin(ang).astype(np.float32)
    return cos, sin


def _k0_body(key_ref, val_ref, bp_ref, cos_ref, sin_ref,
             kn_ref, kc_ref, ks_ref, bound_ref, bid_ref, knc_ref):
    k = key_ref[...]
    v = val_ref[...]
    kn = k / (jnp.sqrt(jnp.sum(k * k, axis=1, keepdims=True)) + 1e-8)
    vn = v / (jnp.sqrt(jnp.sum(v * v, axis=1, keepdims=True)) + 1e-8)
    kn_ref[...] = kn
    knc_ref[...] = jnp.maximum(
        jnp.sqrt(jnp.sum(kn * kn, axis=1, keepdims=True)), 1e-8)
    cos = cos_ref[...]
    sin = sin_ref[...]
    kc = _dot(kn, cos, ((1,), (0,)))
    ks = _dot(kn, sin, ((1,), (0,)))
    vc = _dot(vn, cos, ((1,), (0,)))
    vs = _dot(vn, sin, ((1,), (0,)))
    kc_ref[...] = kc
    ks_ref[...] = ks
    pc = kc * vc - ks * vs
    psn = kc * vs + ks * vc
    bound_ref[...] = (_dot(pc, cos, ((1,), (0,))) +
                      _dot(psn, sin, ((1,), (0,)))) * (1.0 / DIM)
    kn2 = kn / (jnp.sqrt(jnp.sum(kn * kn, axis=1, keepdims=True)) + 1e-8)
    scores = _dot_d(kn2, bp_ref[...], ((1,), (1,)))
    am = jnp.argmax(scores, axis=1).astype(jnp.int32)
    bid_ref[...] = am.astype(jnp.float32)[:, None]


def _k1s_body(kn_ref, bid_ref, knc_ref, addrT_ref, simsel_ref):
    pid = pl.program_id(1)
    ablkT = addrT_ref[0]
    s = _dot_d(kn_ref[...], ablkT, ((1,), (0,)))
    an = jnp.maximum(
        jnp.sqrt(jnp.sum(ablkT * ablkT, axis=0, keepdims=True)), 1e-8)
    s = s / jnp.maximum(an * knc_ref[...], 1e-8)
    mine = bid_ref[...] == pid.astype(jnp.float32)
    simsel_ref[...] = jnp.where(mine, s, simsel_ref[...])


def _k1b_body(simsel_ref, bid_ref, sel_ref, meta_ref):
    cur = simsel_ref[...]
    lane = jax.lax.broadcasted_iota(jnp.int32, (B, BSLOTS), 1)
    cols = []
    for _ in range(K_TOP):
        am = jnp.argmax(cur, axis=1).astype(jnp.int32)
        cols.append(am[:, None])
        hit = lane == am[:, None]
        cur = jnp.where(hit, -1e30, cur)
    sel_ref[...] = jnp.concatenate(cols, axis=1)

    bidf = bid_ref[...]
    lane64 = jax.lax.broadcasted_iota(
        jnp.int32, (B, BUCKETS), 1).astype(jnp.float32)
    oh = (lane64 == bidf).astype(jnp.float32)
    ii = jax.lax.broadcasted_iota(jnp.int32, (B, B), 0)
    jj = jax.lax.broadcasted_iota(jnp.int32, (B, B), 1)
    l1 = (jj <= ii).astype(jnp.float32)
    p = _dot_d(l1, oh, ((1,), (0,)))
    pos = jnp.sum(p * oh, axis=1, keepdims=True)
    i64 = jax.lax.broadcasted_iota(jnp.int32, (BUCKETS, BUCKETS), 0)
    j64 = jax.lax.broadcasted_iota(jnp.int32, (BUCKETS, BUCKETS), 1)
    u64 = (i64 <= j64).astype(jnp.float32)
    counts_row = _dot_d(jnp.ones((1, B), jnp.float32), oh, ((1,), (0,)))
    incl_row = _dot_d(counts_row, u64, ((1,), (0,)))
    starts_row = incl_row - counts_row
    startsb = jnp.sum(oh * starts_row, axis=1, keepdims=True)
    gp = startsb + pos - 1.0
    lane_b = jax.lax.broadcasted_iota(jnp.int32, (B, B), 1).astype(jnp.float32)
    gpm = (gp == lane_b).astype(jnp.float32)
    ivec = jax.lax.broadcasted_iota(jnp.int32, (1, B), 1).astype(jnp.float32)
    iq = jnp.floor(ivec * 0.25)
    ir = ivec - 4.0 * iq
    order = (4.0 * _dot_d(iq, gpm, ((1,), (0,))) +
             _dot_d(ir, gpm, ((1,), (0,))))
    g = _dot_d(bidf.reshape(1, B), gpm, ((1,), (0,)))
    zpad = jnp.zeros((1, B - BUCKETS), jnp.float32)
    starts_p = jnp.concatenate([starts_row, zpad], axis=1)
    counts_p = jnp.concatenate([counts_row, zpad], axis=1)
    pad = jnp.zeros((4, B), jnp.float32)
    meta_ref[...] = jnp.concatenate(
        [order, g, starts_p, counts_p, pad], axis=0).astype(jnp.int32)


def _k2_body(order_ref, g_ref, sel_ref, bound_ref, mem_ref, w_ref):
    j = pl.program_id(0)
    gj = g_ref[j]
    prev = g_ref[jnp.maximum(j - 1, 0)]
    first = jnp.logical_or(j == 0, gj != prev)

    @pl.when(first)
    def _():
        w_ref[...] = mem_ref[...]

    w = w_ref[0]
    riota = jax.lax.broadcasted_iota(jnp.int32, (BSLOTS, 1), 0)
    mcol = jnp.zeros((BSLOTS, 1), jnp.float32)
    for k in range(K_TOP):
        mcol = mcol + (riota == sel_ref[0, 0, k]).astype(jnp.float32)
    b = bound_ref[0]
    w_new = w * DECAY + mcol * b
    nrm = jnp.sqrt(jnp.sum(w_new * w_new, axis=1, keepdims=True))
    w_ref[0] = jnp.where(mcol > 0.5, w_new / (nrm + 1e-8), w_new)


def _k3_body(order_ref, g_ref, sel_ref, w_ref, content_ref):
    acc = jnp.zeros((1, DIM), jnp.float32)
    for k in range(K_TOP):
        s = sel_ref[0, 0, k]
        acc = acc + w_ref[0, pl.ds(s, 1), :]
    content_ref[0] = acc


def _k4_body(content_ref, kc_ref, ks_ref, cos_ref, sin_ref, out_ref):
    cos = cos_ref[...]
    sin = sin_ref[...]
    c = content_ref[...]
    cc = _dot(c, cos, ((1,), (0,)))
    cs = _dot(c, sin, ((1,), (0,)))
    kc = kc_ref[...]
    ks = ks_ref[...]
    den = kc * kc + ks * ks + 1e-8
    re = (cc * kc + cs * ks) / den
    im = (cc * ks - cs * kc) / den
    x = (_dot(re, cos, ((1,), (0,))) - _dot(im, sin, ((1,), (0,)))) * (1.0 / DIM)
    out_ref[...] = x / (jnp.sqrt(jnp.sum(x * x, axis=1, keepdims=True)) + 1e-8)


def kernel(key, value, addresses, memory, bucket_projections):
    cos_np, sin_np = _dft_mats()
    cos = jnp.asarray(cos_np)
    sin = jnp.asarray(sin_np)
    addr_b = addresses.reshape(BSLOTS, BUCKETS, DIM).transpose(1, 0, 2)
    mem_b = memory.reshape(BSLOTS, BUCKETS, DIM).transpose(1, 0, 2)

    rb = lambda: pl.BlockSpec((RB, DIM), lambda r: (r, 0))
    rb1 = lambda: pl.BlockSpec((RB, 1), lambda r: (r, 0))
    cst = lambda shp: pl.BlockSpec(shp, lambda r: (0,) * len(shp))

    kn, kc, ks, bound, bidf, knc = pl.pallas_call(
        _k0_body,
        grid=(NRB,),
        in_specs=[rb(), rb(), cst((BUCKETS, DIM)),
                  cst((DIM, DIM)), cst((DIM, DIM))],
        out_specs=[rb(), rb(), rb(), rb(), rb1(), rb1()],
        out_shape=[
            jax.ShapeDtypeStruct((B, DIM), jnp.float32),
            jax.ShapeDtypeStruct((B, DIM), jnp.float32),
            jax.ShapeDtypeStruct((B, DIM), jnp.float32),
            jax.ShapeDtypeStruct((B, DIM), jnp.float32),
            jax.ShapeDtypeStruct((B, 1), jnp.float32),
            jax.ShapeDtypeStruct((B, 1), jnp.float32),
        ],
    )(key, value, bucket_projections, cos, sin)

    addr_bT = addr_b.transpose(0, 2, 1)
    simsel = pl.pallas_call(
        _k1s_body,
        grid=(NRB, BUCKETS),
        in_specs=[
            pl.BlockSpec((RB, DIM), lambda r, b: (r, 0)),
            pl.BlockSpec((RB, 1), lambda r, b: (r, 0)),
            pl.BlockSpec((RB, 1), lambda r, b: (r, 0)),
            pl.BlockSpec((1, DIM, BSLOTS), lambda r, b: (b, 0, 0)),
        ],
        out_specs=pl.BlockSpec((RB, BSLOTS), lambda r, b: (r, 0)),
        out_shape=jax.ShapeDtypeStruct((B, BSLOTS), jnp.float32),
    )(kn, bidf, knc, addr_bT)

    sel, meta = pl.pallas_call(
        _k1b_body,
        in_specs=[pl.BlockSpec((B, BSLOTS), lambda: (0, 0)),
                  pl.BlockSpec((B, 1), lambda: (0, 0))],
        out_specs=[pl.BlockSpec((B, K_TOP), lambda: (0, 0)),
                   pl.BlockSpec((8, B), lambda: (0, 0))],
        out_shape=[jax.ShapeDtypeStruct((B, K_TOP), jnp.int32),
                   jax.ShapeDtypeStruct((8, B), jnp.int32)],
    )(simsel, bidf)

    order = meta[0]
    g = meta[1]
    sel3 = sel.reshape(B, 1, K_TOP)
    bound3 = bound.reshape(B, 1, DIM)

    w = pl.pallas_call(
        _k2_body,
        grid_spec=pltpu.PrefetchScalarGridSpec(
            num_scalar_prefetch=2,
            grid=(B,),
            in_specs=[
                pl.BlockSpec((1, 1, K_TOP), lambda j, o, gg: (o[j], 0, 0),
                             memory_space=pltpu.SMEM),
                pl.BlockSpec((1, 1, DIM), lambda j, o, gg: (o[j], 0, 0)),
                pl.BlockSpec((1, BSLOTS, DIM), lambda j, o, gg: (gg[j], 0, 0)),
            ],
            out_specs=pl.BlockSpec((1, BSLOTS, DIM),
                                   lambda j, o, gg: (gg[j], 0, 0)),
        ),
        out_shape=jax.ShapeDtypeStruct((BUCKETS, BSLOTS, DIM), jnp.float32),
    )(order, g, sel3, bound3, mem_b)

    content = pl.pallas_call(
        _k3_body,
        grid_spec=pltpu.PrefetchScalarGridSpec(
            num_scalar_prefetch=2,
            grid=(B,),
            in_specs=[
                pl.BlockSpec((1, 1, K_TOP), lambda j, o, gg: (o[j], 0, 0),
                             memory_space=pltpu.SMEM),
                pl.BlockSpec((1, BSLOTS, DIM), lambda j, o, gg: (gg[j], 0, 0)),
            ],
            out_specs=pl.BlockSpec((1, 1, DIM),
                                   lambda j, o, gg: (o[j], 0, 0)),
        ),
        out_shape=jax.ShapeDtypeStruct((B, 1, DIM), jnp.float32),
    )(order, g, sel3, w)
    content = content.reshape(B, DIM)

    out = pl.pallas_call(
        _k4_body,
        grid=(NRB,),
        in_specs=[rb(), rb(), rb(), cst((DIM, DIM)), cst((DIM, DIM))],
        out_specs=rb(),
        out_shape=jax.ShapeDtypeStruct((B, DIM), jnp.float32),
    )(content, kc, ks, cos, sin)
    return out

# --- scband reference (transcript-rebuilt; emitter-appended) ---
"""Pipeline reference for scband-vsamemory-57458072486501 (READ-ONLY COPY).

The authoritative reference and input builder live on the scoring server;
editing this copy changes nothing except your own understanding.
"""

import jax, jax.numpy as jnp
import numpy as np

DIM = 512
N_SLOTS = 16384
K_TOP = 16
DECAY = 0.995
BUCKETS = 64
B = 1024
SLOT_MATRIX = jnp.arange(BUCKETS)[:, None] + BUCKETS * jnp.arange(N_SLOTS // BUCKETS)[None, :]


def _normalize(x, eps=1e-8):
    return x / (jnp.linalg.norm(x, axis=-1, keepdims=True) + eps)


def hrr_bind(a, b):
    A = jnp.fft.rfft(a, axis=-1)
    Bf = jnp.fft.rfft(b, axis=-1)
    return jnp.fft.irfft(A * Bf, n=a.shape[-1], axis=-1)


def hrr_unbind(c, a):
    A = jnp.fft.rfft(a, axis=-1)
    C = jnp.fft.rfft(c, axis=-1)
    B_hat = C * jnp.conj(A) / (jnp.abs(A) ** 2 + 1e-8)
    return jnp.fft.irfft(B_hat, n=a.shape[-1], axis=-1)


def setup_inputs(seed: int = 0):
    key = jax.random.key(seed)
    k1, k2, k3, k4 = jax.random.split(key, 4)
    return {
        "key": jax.random.normal(k1, (B, DIM), dtype=jnp.float32),
        "value": jax.random.normal(k2, (B, DIM), dtype=jnp.float32),
        "addresses": _normalize(jax.random.normal(k3, (N_SLOTS, DIM), dtype=jnp.float32)),
        "memory": jnp.zeros((N_SLOTS, DIM), dtype=jnp.float32),
        "bucket_projections": _normalize(jax.random.normal(k4, (BUCKETS, DIM), dtype=jnp.float32)),
    }


def _hash_bucket(k_i, bucket_projections):
    kn = _normalize(k_i[None, :])
    return jnp.argmax(kn @ bucket_projections.T)


def _bucket_topk(k_i, slots, addresses):
    a = addresses[slots]
    an = jnp.clip(jnp.linalg.norm(a, axis=-1), 1e-8, None)
    kn = jnp.clip(jnp.linalg.norm(k_i), 1e-8, None)
    sims = (a @ k_i) / jnp.clip(an * kn, 1e-8, None)
    top_vals, top_idx = jax.lax.top_k(sims, K_TOP)
    return slots[top_idx], top_vals


def _write(key_n, bound, memory, addresses, bucket_projections):
    def write_step(mem, inp):
        k_i, b_i = inp
        bid = _hash_bucket(k_i, bucket_projections)
        slots = SLOT_MATRIX[bid]
        mem = mem.at[slots].set(mem[slots] * DECAY)
        sel, _ = _bucket_topk(k_i, slots, addresses)
        mem = mem.at[sel].add(jnp.broadcast_to(b_i, (K_TOP, DIM)))
        mem = mem.at[sel].set(_normalize(mem[sel]))
        return mem, None
    mem_final, _ = jax.lax.scan(write_step, memory, (key_n, bound))
    return mem_final


def _read(key_n, mem_final, addresses, bucket_projections):
    def read_one(k_i):
        bid = _hash_bucket(k_i, bucket_projections)
        slots = SLOT_MATRIX[bid]
        sel, _ = _bucket_topk(k_i, slots, addresses)
        content = mem_final[sel].sum(axis=0)
        return _normalize(hrr_unbind(content, k_i))
    return jax.vmap(read_one)(key_n)


def reference(key, value, addresses, memory, bucket_projections):
    key_n = _normalize(key)
    val_n = _normalize(value)
    bound = hrr_bind(key_n, val_n)  # write_strength * strength = 1.0
    mem_final = jax.lax.stop_gradient(_write(key_n, bound, memory, addresses, bucket_projections))
    return _read(key_n, mem_final, addresses, bucket_projections)

if __name__ == "__main__":
    import jax
    _d = setup_inputs()
    print(jax.jit(kernel)(*tuple(_d.values())))

</pallas_src>

<mosaic_0001>
module attributes {stable_mosaic.version = 14 : i64} {
  func.func @_k1s_body(%arg0: i32, %arg1: i32, %arg2: memref<128x512xf32, #tpu.memory_space<vmem>>, %arg3: memref<128x1xf32, #tpu.memory_space<vmem>>, %arg4: memref<128x1xf32, #tpu.memory_space<vmem>>, %arg5: memref<1x512x256xf32, #tpu.memory_space<vmem>>, %arg6: memref<128x256xf32, #tpu.memory_space<vmem>>) attributes {dimension_semantics = [#tpu.dimension_semantics<arbitrary>, #tpu.dimension_semantics<arbitrary>], iteration_bounds = array<i64: 8, 64>, scalar_prefetch = 0 : i64, scratch_operands = 0 : i64, tpu.core_type = #tpu.core_type<tc>, window_params = [{transform_indices = @transform_0, window_bounds = array<i64: 128, 512>}, {transform_indices = @transform_1, window_bounds = array<i64: 128, 1>}, {transform_indices = @transform_2, window_bounds = array<i64: 128, 1>}, {transform_indices = @transform_3, window_bounds = array<i64: 1, 512, 256>}, {transform_indices = @transform_4, window_bounds = array<i64: 128, 256>}]} {
    %get3A = arith.constant 0 : index
    %get3A_0 = arith.constant 0 : index
    %get3A_1 = arith.constant 0 : index
    %get3A_2 = vector.load %arg5[%get3A, %get3A_0, %get3A_1] : memref<1x512x256xf32, #tpu.memory_space<vmem>>, vector<1x512x256xf32>
    %get3A_3 = vector.shape_cast %get3A_2 : vector<1x512x256xf32> to vector<512x256xf32>
    %get3A_4 = arith.constant 0 : index
    %get3A_5 = arith.constant 0 : index
    %get3A_6 = vector.load %arg2[%get3A_4, %get3A_5] : memref<128x512xf32, #tpu.memory_space<vmem>>, vector<128x512xf32>
    %dot_general3A = arith.constant dense<0.000000e+00> : vector<128x256xf32>
    %dot_general3A_7 = tpu.matmul %get3A_6, %get3A_3, %dot_general3A {dimension_numbers = #tpu.dot_dimension_numbers<[1], [0], [0], [1], [0, 0, 1, 1], [], []>, transpose_lhs_hint = false} : vector<128x512xf32>, vector<512x256xf32>, vector<128x256xf32> -> vector<128x256xf32>
    %mul3A = arith.mulf %get3A_3, %get3A_3 : vector<512x256xf32>
    %reduce_sum3A = arith.constant dense<0.000000e+00> : vector<256xf32>
    %reduce_sum3A_8 = vector.multi_reduction <add>, %mul3A, %reduce_sum3A [0] : vector<512x256xf32> to vector<256xf32>
    %broadcast_in_dim3A = vector.shape_cast %reduce_sum3A_8 : vector<256xf32> to vector<1x256xf32>
    %sqrt3A = math.sqrt %broadcast_in_dim3A : vector<1x256xf32>
    %max3A = arith.constant 9.99999993E-9 : f32
    %max3A_9 = vector.broadcast %max3A : f32 to vector<1x256xf32>
    %max3A_10 = arith.maximumf %sqrt3A, %max3A_9 : vector<1x256xf32>
    %get3A_11 = arith.constant 0 : index
    %get3A_12 = arith.constant 0 : index
    %get3A_13 = vector.load %arg4[%get3A_11, %get3A_12] : memref<128x1xf32, #tpu.memory_space<vmem>>, vector<128x1xf32>
    %mul3A_14 = vector.broadcast %max3A_10 : vector<1x256xf32> to vector<128x256xf32>
    %mul3A_15 = vector.broadcast %get3A_13 : vector<128x1xf32> to vector<128x256xf32>
    %mul3A_16 = arith.mulf %mul3A_14, %mul3A_15 : vector<128x256xf32>
    %max3A_17 = arith.constant 9.99999993E-9 : f32
    %max3A_18 = vector.broadcast %max3A_17 : f32 to vector<128x256xf32>
    %max3A_19 = arith.maximumf %mul3A_16, %max3A_18 : vector<128x256xf32>
    %div3A = arith.divf %dot_general3A_7, %max3A_19 : vector<128x256xf32>
    %get3A_20 = arith.constant 0 : index
    %get3A_21 = arith.constant 0 : index
    %get3A_22 = vector.load %arg3[%get3A_20, %get3A_21] : memref<128x1xf32, #tpu.memory_space<vmem>>, vector<128x1xf32>
    %convert_element_type3A = arith.sitofp %arg1 : i32 to f32
    %eq3A = vector.broadcast %convert_element_type3A : f32 to vector<128x1xf32>
    %eq3A_23 = arith.cmpf oeq, %get3A_22, %eq3A : vector<128x1xf32>
    %get3A_24 = arith.constant 0 : index
    %get3A_25 = arith.constant 0 : index
    %get3A_26 = vector.load %arg6[%get3A_24, %get3A_25] : memref<128x256xf32, #tpu.memory_space<vmem>>, vector<128x256xf32>
    %broadcast_in_dim3A_27 = vector.shape_cast %eq3A_23 : vector<128x1xi1> to vector<128x1xi1>
    %broadcast_in_dim3A_28 = vector.broadcast %broadcast_in_dim3A_27 : vector<128x1xi1> to vector<128x256xi1>
    %select_n3A = arith.select %broadcast_in_dim3A_28, %div3A, %get3A_26 : vector<128x256xi1>, vector<128x256xf32>
    %swap3A = arith.constant 0 : index
    %swap3A_29 = arith.constant 0 : index
    %swap3A_30 = vector.load %arg6[%swap3A, %swap3A_29] : memref<128x256xf32, #tpu.memory_space<vmem>>, vector<128x256xf32>
    tpu.vector_store %arg6[%swap3A, %swap3A_29], %select_n3A {strides = array<i32>} : memref<128x256xf32, #tpu.memory_space<vmem>>, vector<128x256xf32>,
    return
  }
  func.func @transform_0(%arg0: i32, %arg1: i32) -> (i32, i32) {
    %c0_i32 = arith.constant 0 : i32
    %c0_i32_0 = arith.constant 0 : i32
    return %arg0, %c0_i32 : i32, i32
  }
  func.func @transform_1(%arg0: i32, %arg1: i32) -> (i32, i32) {
    %c0_i32 = arith.constant 0 : i32
    %c0_i32_0 = arith.constant 0 : i32
    return %arg0, %c0_i32 : i32, i32
  }
  func.func @transform_2(%arg0: i32, %arg1: i32) -> (i32, i32) {
    %c0_i32 = arith.constant 0 : i32
    %c0_i32_0 = arith.constant 0 : i32
    return %arg0, %c0_i32 : i32, i32
  }
  func.func @transform_3(%arg0: i32, %arg1: i32) -> (i32, i32, i32) {
    %c0_i32 = arith.constant 0 : i32
    %c0_i32_0 = arith.constant 0 : i32
    %c0_i32_1 = arith.constant 0 : i32
    return %arg1, %c0_i32, %c0_i32_0 : i32, i32, i32
  }
  func.func @transform_4(%arg0: i32, %arg1: i32) -> (i32, i32) {
    %c0_i32 = arith.constant 0 : i32
    %c0_i32_0 = arith.constant 0 : i32
    return %arg0, %c0_i32 : i32, i32
  }
}

module attributes {stable_mosaic.version = 14 : i64} {
  func.func @_k0_body(%arg0: i32, %arg1: memref<128x512xf32, #tpu.memory_space<vmem>>, %arg2: memref<128x512xf32, #tpu.memory_space<vmem>>, %arg3: memref<64x512xf32, #tpu.memory_space<vmem>>, %arg4: memref<512x512xf32, #tpu.memory_space<vmem>>, %arg5: memref<512x512xf32, #tpu.memory_space<vmem>>, %arg6: memref<128x512xf32, #tpu.memory_space<vmem>>, %arg7: memref<128x512xf32, #tpu.memory_space<vmem>>, %arg8: memref<128x512xf32, #tpu.memory_space<vmem>>, %arg9: memref<128x512xf32, #tpu.memory_space<vmem>>, %arg10: memref<128x1xf32, #tpu.memory_space<vmem>>, %arg11: memref<128x1xf32, #tpu.memory_space<vmem>>) attributes {dimension_semantics = [#tpu.dimension_semantics<arbitrary>], iteration_bounds = array<i64: 8>, scalar_prefetch = 0 : i64, scratch_operands = 0 : i64, tpu.core_type = #tpu.core_type<tc>, window_params = [{transform_indices = @transform_0, window_bounds = array<i64: 128, 512>}, {transform_indices = @transform_1, window_bounds = array<i64: 128, 512>}, {pipeline_mode = #tpu.pipeline_mode<synchronous>, transform_indices = @transform_2, window_bounds = array<i64: 64, 512>}, {pipeline_mode = #tpu.pipeline_mode<synchronous>, transform_indices = @transform_3, window_bounds = array<i64: 512, 512>}, {pipeline_mode = #tpu.pipeline_mode<synchronous>, transform_indices = @transform_4, window_bounds = array<i64: 512, 512>}, {transform_indices = @transform_5, window_bounds = array<i64: 128, 512>}, {transform_indices = @transform_6, window_bounds = array<i64: 128, 512>}, {transform_indices = @transform_7, window_bounds = array<i64: 128, 512>}, {transform_indices = @transform_8, window_bounds = array<i64: 128, 512>}, {transform_indices = @transform_9, window_bounds = array<i64: 128, 1>}, {transform_indices = @transform_10, window_bounds = array<i64: 128, 1>}]} {
    %get3A = arith.constant 0 : index
    %get3A_0 = arith.constant 0 : index
    %get3A_1 = vector.load %arg1[%get3A, %get3A_0] : memref<128x512xf32, #tpu.memory_space<vmem>>, vector<128x512xf32>
    %get3A_2 = arith.constant 0 : index
    %get3A_3 = arith.constant 0 : index
    %get3A_4 = vector.load %arg2[%get3A_2, %get3A_3] : memref<128x512xf32, #tpu.memory_space<vmem>>, vector<128x512xf32>
    %mul3A = arith.mulf %get3A_1, %get3A_1 : vector<128x512xf32>
    %reduce_sum3A = arith.constant dense<0.000000e+00> : vector<128xf32>
    %reduce_sum3A_5 = vector.multi_reduction <add>, %mul3A, %reduce_sum3A [1] : vector<128x512xf32> to vector<128xf32>
    %broadcast_in_dim3A = vector.shape_cast %reduce_sum3A_5 : vector<128xf32> to vector<128x1xf32>
    %sqrt3A = math.sqrt %broadcast_in_dim3A : vector<128x1xf32>
    %add3A = arith.constant 9.99999993E-9 : f32
    %add3A_6 = vector.broadcast %add3A : f32 to vector<128x1xf32>
    %add3A_7 = arith.addf %sqrt3A, %add3A_6 : vector<128x1xf32>
    %div3A = vector.broadcast %add3A_7 : vector<128x1xf32> to vector<128x512xf32>
    %div3A_8 = arith.divf %get3A_1, %div3A : vector<128x512xf32>
    %mul3A_9 = arith.mulf %get3A_4, %get3A_4 : vector<128x512xf32>
    %reduce_sum3A_10 = arith.constant dense<0.000000e+00> : vector<128xf32>
    %reduce_sum3A_11 = vector.multi_reduction <add>, %mul3A_9, %reduce_sum3A_10 [1] : vector<128x512xf32> to vector<128xf32>
    %broadcast_in_dim3A_12 = vector.shape_cast %reduce_sum3A_11 : vector<128xf32> to vector<128x1xf32>
    %sqrt3A_13 = math.sqrt %broadcast_in_dim3A_12 : vector<128x1xf32>
    %add3A_14 = arith.constant 9.99999993E-9 : f32
    %add3A_15 = vector.broadcast %add3A_14 : f32 to vector<128x1xf32>
    %add3A_16 = arith.addf %sqrt3A_13, %add3A_15 : vector<128x1xf32>
    %div3A_17 = vector.broadcast %add3A_16 : vector<128x1xf32> to vector<128x512xf32>
    %div3A_18 = arith.divf %get3A_4, %div3A_17 : vector<128x512xf32>
    %swap3A = arith.constant 0 : index
    %swap3A_19 = arith.constant 0 : index
    %swap3A_20 = vector.load %arg6[%swap3A, %swap3A_19] : memref<128x512xf32, #tpu.memory_space<vmem>>, vector<128x512xf32>
    tpu.vector_store %arg6[%swap3A, %swap3A_19], %div3A_8 {strides = array<i32>} : memref<128x512xf32, #tpu.memory_space<vmem>>, vector<128x512xf32>,
    %mul3A_21 = arith.mulf %div3A_8, %div3A_8 : vector<128x512xf32>
    %reduce_sum3A_22 = arith.constant dense<0.000000e+00> : vector<128xf32>
    %reduce_sum3A_23 = vector.multi_reduction <add>, %mul3A_21, %reduce_sum3A_22 [1] : vector<128x512xf32> to vector<128xf32>
    %broadcast_in_dim3A_24 = vector.shape_cast %reduce_sum3A_23 : vector<128xf32> to vector<128x1xf32>
    %sqrt3A_25 = math.sqrt %broadcast_in_dim3A_24 : vector<128x1xf32>
    %max3A = arith.constant 9.99999993E-9 : f32
    %max3A_26 = vector.broadcast %max3A : f32 to vector<128x1xf32>
    %max3A_27 = arith.maximumf %sqrt3A_25, %max3A_26 : vector<128x1xf32>
    %swap3A_28 = arith.constant 0 : index
    %swap3A_29 = arith.constant 0 : index
    %swap3A_30 = vector.load %arg11[%swap3A_28, %swap3A_29] : memref<128x1xf32, #tpu.memory_space<vmem>>, vector<128x1xf32>
    tpu.vector_store %arg11[%swap3A_28, %swap3A_29], %max3A_27 {strides = array<i32>} : memref<128x1xf32, #tpu.memory_space<vmem>>, vector<128x1xf32>,
    %get3A_31 = arith.constant 0 : index
    %get3A_32 = arith.constant 0 : index
    %get3A_33 = vector.load %arg4[%get3A_31, %get3A_32] : memref<512x512xf32, #tpu.memory_space<vmem>>, vector<512x512xf32>
    %get3A_34 = arith.constant 0 : index
    %get3A_35 = arith.constant 0 : index
    %get3A_36 = vector.load %arg5[%get3A_34, %get3A_35] : memref<512x512xf32, #tpu.memory_space<vmem>>, vector<512x512xf32>
    %dot_general3A = arith.constant dense<0.000000e+00> : vector<128x512xf32>
    %dot_general3A_37 = tpu.matmul %div3A_8, %get3A_33, %dot_general3A {dimension_numbers = #tpu.dot_dimension_numbers<[1], [0], [0], [1], [0, 0, 1, 1], [], []>, precision = #tpu.contract_precision<fp32>, transpose_lhs_hint = false} : vector<128x512xf32>, vector<512x512xf32>, vector<128x512xf32> -> vector<128x512xf32>
    %dot_general3A_38 = arith.constant dense<0.000000e+00> : vector<128x512xf32>
    %dot_general3A_39 = tpu.matmul %div3A_8, %get3A_36, %dot_general3A_38 {dimension_numbers = #tpu.dot_dimension_numbers<[1], [0], [0], [1], [0, 0, 1, 1], [], []>, precision = #tpu.contract_precision<fp32>, transpose_lhs_hint = false} : vector<128x512xf32>, vector<512x512xf32>, vector<128x512xf32> -> vector<128x512xf32>
    %dot_general3A_40 = arith.constant dense<0.000000e+00> : vector<128x512xf32>
    %dot_general3A_41 = tpu.matmul %div3A_18, %get3A_33, %dot_general3A_40 {dimension_numbers = #tpu.dot_dimension_numbers<[1], [0], [0], [1], [0, 0, 1, 1], [], []>, precision = #tpu.contract_precision<fp32>, transpose_lhs_hint = false} : vector<128x512xf32>, vector<512x512xf32>, vector<128x512xf32> -> vector<128x512xf32>
    %dot_general3A_42 = arith.constant dense<0.000000e+00> : vector<128x512xf32>
    %dot_general3A_43 = tpu.matmul %div3A_18, %get3A_36, %dot_general3A_42 {dimension_numbers = #tpu.dot_dimension_numbers<[1], [0], [0], [1], [0, 0, 1, 1], [], []>, precision = #tpu.contract_precision<fp32>, transpose_lhs_hint = false} : vector<128x512xf32>, vector<512x512xf32>, vector<128x512xf32> -> vector<128x512xf32>
    %swap3A_44 = arith.constant 0 : index
    %swap3A_45 = arith.constant 0 : index
    %swap3A_46 = vector.load %arg7[%swap3A_44, %swap3A_45] : memref<128x512xf32, #tpu.memory_space<vmem>>, vector<128x512xf32>
    tpu.vector_store %arg7[%swap3A_44, %swap3A_45], %dot_general3A_37 {strides = array<i32>} : memref<128x512xf32, #tpu.memory_space<vmem>>, vector<128x512xf32>,
    %swap3A_47 = arith.constant 0 : index
    %swap3A_48 = arith.constant 0 : index
    %swap3A_49 = vector.load %arg8[%swap3A_47, %swap3A_48] : memref<128x512xf32, #tpu.memory_space<vmem>>, vector<128x512xf32>
    tpu.vector_store %arg8[%swap3A_47, %swap3A_48], %dot_general3A_39 {strides = array<i32>} : memref<128x512xf32, #tpu.memory_space<vmem>>, vector<128x512xf32>,
    %mul3A_50 = arith.mulf %dot_general3A_37, %dot_general3A_41 : vector<128x512xf32>
    %mul3A_51 = arith.mulf %dot_general3A_39, %dot_general3A_43 : vector<128x512xf32>
    %sub3A = arith.subf %mul3A_50, %mul3A_51 : vector<128x512xf32>
    %mul3A_52 = arith.mulf %dot_general3A_37, %dot_general3A_43 : vector<128x512xf32>
    %mul3A_53 = arith.mulf %dot_general3A_39, %dot_general3A_41 : vector<128x512xf32>
    %add3A_54 = arith.addf %mul3A_52, %mul3A_53 : vector<128x512xf32>
    %dot_general3A_55 = arith.constant dense<0.000000e+00> : vector<128x512xf32>
    %dot_general3A_56 = tpu.matmul %sub3A, %get3A_33, %dot_general3A_55 {dimension_numbers = #tpu.dot_dimension_numbers<[1], [0], [0], [1], [0, 0, 1, 1], [], []>, precision = #tpu.contract_precision<fp32>, transpose_lhs_hint = false} : vector<128x512xf32>, vector<512x512xf32>, vector<128x512xf32> -> vector<128x512xf32>
    %dot_general3A_57 = arith.constant dense<0.000000e+00> : vector<128x512xf32>
    %dot_general3A_58 = tpu.matmul %add3A_54, %get3A_36, %dot_general3A_57 {dimension_numbers = #tpu.dot_dimension_numbers<[1], [0], [0], [1], [0, 0, 1, 1], [], []>, precision = #tpu.contract_precision<fp32>, transpose_lhs_hint = false} : vector<128x512xf32>, vector<512x512xf32>, vector<128x512xf32> -> vector<128x512xf32>
    %add3A_59 = arith.addf %dot_general3A_56, %dot_general3A_58 : vector<128x512xf32>
    %mul3A_60 = arith.constant 0.001953125 : f32
    %mul3A_61 = vector.broadcast %mul3A_60 : f32 to vector<128x512xf32>
    %mul3A_62 = arith.mulf %add3A_59, %mul3A_61 : vector<128x512xf32>
    %swap3A_63 = arith.constant 0 : index
    %swap3A_64 = arith.constant 0 : index
    %swap3A_65 = vector.load %arg9[%swap3A_63, %swap3A_64] : memref<128x512xf32, #tpu.memory_space<vmem>>, vector<128x512xf32>
    tpu.vector_store %arg9[%swap3A_63, %swap3A_64], %mul3A_62 {strides = array<i32>} : memref<128x512xf32, #tpu.memory_space<vmem>>, vector<128x512xf32>,
    %mul3A_66 = arith.mulf %div3A_8, %div3A_8 : vector<128x512xf32>
    %reduce_sum3A_67 = arith.constant dense<0.000000e+00> : vector<128xf32>
    %reduce_sum3A_68 = vector.multi_reduction <add>, %mul3A_66, %reduce_sum3A_67 [1] : vector<128x512xf32> to vector<128xf32>
    %broadcast_in_dim3A_69 = vector.shape_cast %reduce_sum3A_68 : vector<128xf32> to vector<128x1xf32>
    %sqrt3A_70 = math.sqrt %broadcast_in_dim3A_69 : vector<128x1xf32>
    %add3A_71 = arith.constant 9.99999993E-9 : f32
    %add3A_72 = vector.broadcast %add3A_71 : f32 to vector<128x1xf32>
    %add3A_73 = arith.addf %sqrt3A_70, %add3A_72 : vector<128x1xf32>
    %div3A_74 = vector.broadcast %add3A_73 : vector<128x1xf32> to vector<128x512xf32>
    %div3A_75 = arith.divf %div3A_8, %div3A_74 : vector<128x512xf32>
    %get3A_76 = arith.constant 0 : index
    %get3A_77 = arith.constant 0 : index
    %get3A_78 = vector.load %arg3[%get3A_76, %get3A_77] : memref<64x512xf32, #tpu.memory_space<vmem>>, vector<64x512xf32>
    %dot_general3A_79 = arith.constant dense<0.000000e+00> : vector<128x64xf32>
    %dot_general3A_80 = tpu.matmul %div3A_75, %get3A_78, %dot_general3A_79 {dimension_numbers = #tpu.dot_dimension_numbers<[1], [1], [0], [0], [0, 0, 1, 0], [], []>, transpose_lhs_hint = false} : vector<128x512xf32>, vector<64x512xf32>, vector<128x64xf32> -> vector<128x64xf32>
    %argmax3A = tpu.reduce_index %dot_general3A_80 {axis = 1 : i32, kind = #tpu.reduction_kind<arg_max>} : vector<128x64xf32> -> vector<128xi32>
    %convert_element_type3A = arith.sitofp %argmax3A : vector<128xi32> to vector<128xf32>
    %broadcast_in_dim3A_81 = vector.shape_cast %convert_element_type3A : vector<128xf32> to vector<128x1xf32>
    %swap3A_82 = arith.constant 0 : index
    %swap3A_83 = arith.constant 0 : index
    %swap3A_84 = vector.load %arg10[%swap3A_82, %swap3A_83] : memref<128x1xf32, #tpu.memory_space<vmem>>, vector<128x1xf32>
    tpu.vector_store %arg10[%swap3A_82, %swap3A_83], %broadcast_in_dim3A_81 {strides = array<i32>} : memref<128x1xf32, #tpu.memory_space<vmem>>, vector<128x1xf32>,
    return
  }
  func.func @transform_0(%arg0: i32) -> (i32, i32) {
    %c0_i32 = arith.constant 0 : i32
    %c0_i32_0 = arith.constant 0 : i32
    return %arg0, %c0_i32 : i32, i32
  }
  func.func @transform_1(%arg0: i32) -> (i32, i32) {
    %c0_i32 = arith.constant 0 : i32
    %c0_i32_0 = arith.constant 0 : i32
    return %arg0, %c0_i32 : i32, i32
  }
  func.func @transform_2(%arg0: i32) -> (i32, i32) {
    %c0_i32 = arith.constant 0 : i32
    %c0_i32_0 = arith.constant 0 : i32
    %c0_i32_1 = arith.constant 0 : i32
    return %c0_i32, %c0_i32_0 : i32, i32
  }
  func.func @transform_3(%arg0: i32) -> (i32, i32) {
    %c0_i32 = arith.constant 0 : i32
    %c0_i32_0 = arith.constant 0 : i32
    %c0_i32_1 = arith.constant 0 : i32
    return %c0_i32, %c0_i32_0 : i32, i32
  }
  func.func @transform_4(%arg0: i32) -> (i32, i32) {
    %c0_i32 = arith.constant 0 : i32
    %c0_i32_0 = arith.constant 0 : i32
    %c0_i32_1 = arith.constant 0 : i32
    return %c0_i32, %c0_i32_0 : i32, i32
  }
  func.func @transform_5(%arg0: i32) -> (i32, i32) {
    %c0_i32 = arith.constant 0 : i32
    %c0_i32_0 = arith.constant 0 : i32
    return %arg0, %c0_i32 : i32, i32
  }
  func.func @transform_6(%arg0: i32) -> (i32, i32) {
    %c0_i32 = arith.constant 0 : i32
    %c0_i32_0 = arith.constant 0 : i32
    return %arg0, %c0_i32 : i32, i32
  }
  func.func @transform_7(%arg0: i32) -> (i32, i32) {
    %c0_i32 = arith.constant 0 : i32
    %c0_i32_0 = arith.constant 0 : i32
    return %arg0, %c0_i32 : i32, i32
  }
  func.func @transform_8(%arg0: i32) -> (i32, i32) {
    %c0_i32 = arith.constant 0 : i32
    %c0_i32_0 = arith.constant 0 : i32
    return %arg0, %c0_i32 : i32, i32
  }
  func.func @transform_9(%arg0: i32) -> (i32, i32) {
    %c0_i32 = arith.constant 0 : i32
    %c0_i32_0 = arith.constant 0 : i32
    return %arg0, %c0_i32 : i32, i32
  }
  func.func @transform_10(%arg0: i32) -> (i32, i32) {
    %c0_i32 = arith.constant 0 : i32
    %c0_i32_0 = arith.constant 0 : i32
    return %arg0, %c0_i32 : i32, i32
  }
}

module attributes {stable_mosaic.version = 14 : i64} {
  func.func @_k1b_body(%arg0: memref<1024x256xf32, #tpu.memory_space<vmem>>, %arg1: memref<1024x1xf32, #tpu.memory_space<vmem>>, %arg2: memref<1024x16xi32, #tpu.memory_space<vmem>>, %arg3: memref<8x1024xi32, #tpu.memory_space<vmem>>) attributes {dimension_semantics = [], scalar_prefetch = 0 : i64, scratch_operands = 0 : i64, tpu.core_type = #tpu.core_type<tc>} {
    %get3A = arith.constant 0 : index
    %get3A_0 = arith.constant 0 : index
    %get3A_1 = vector.load %arg0[%get3A, %get3A_0] : memref<1024x256xf32, #tpu.memory_space<vmem>>, vector<1024x256xf32>
    %iota3A = tpu.iota {dimensions = array<i32: 1>} : vector<1024x256xi32>
    %argmax3A = tpu.reduce_index %get3A_1 {axis = 1 : i32, kind = #tpu.reduction_kind<arg_max>} : vector<1024x256xf32> -> vector<1024xi32>
    %broadcast_in_dim3A = vector.shape_cast %argmax3A : vector<1024xi32> to vector<1024x1xi32>
    %broadcast_in_dim3A_2 = vector.shape_cast %argmax3A : vector<1024xi32> to vector<1024x1xi32>
    %eq3A = vector.broadcast %broadcast_in_dim3A_2 : vector<1024x1xi32> to vector<1024x256xi32>
    %eq3A_3 = arith.cmpi eq, %iota3A, %eq3A : vector<1024x256xi32>
    %jit3A = arith.constant -1.000000e+30 : f32
    %broadcast_in_dim3A_4 = vector.broadcast %jit3A : f32 to vector<1024x256xf32>
    %select_n3A = arith.select %eq3A_3, %broadcast_in_dim3A_4, %get3A_1 : vector<1024x256xi1>, vector<1024x256xf32>
    %argmax3A_5 = tpu.reduce_index %select_n3A {axis = 1 : i32, kind = #tpu.reduction_kind<arg_max>} : vector<1024x256xf32> -> vector<1024xi32>
    %broadcast_in_dim3A_6 = vector.shape_cast %argmax3A_5 : vector<1024xi32> to vector<1024x1xi32>
    %broadcast_in_dim3A_7 = vector.shape_cast %argmax3A_5 : vector<1024xi32> to vector<1024x1xi32>
    %eq3A_8 = vector.broadcast %broadcast_in_dim3A_7 : vector<1024x1xi32> to vector<1024x256xi32>
    %eq3A_9 = arith.cmpi eq, %iota3A, %eq3A_8 : vector<1024x256xi32>
    %jit3A_10 = arith.constant -1.000000e+30 : f32
    %broadcast_in_dim3A_11 = vector.broadcast %jit3A_10 : f32 to vector<1024x256xf32>
    %select_n3A_12 = arith.select %eq3A_9, %broadcast_in_dim3A_11, %select_n3A : vector<1024x256xi1>, vector<1024x256xf32>
    %argmax3A_13 = tpu.reduce_index %select_n3A_12 {axis = 1 : i32, kind = #tpu.reduction_kind<arg_max>} : vector<1024x256xf32> -> vector<1024xi32>
    %broadcast_in_dim3A_14 = vector.shape_cast %argmax3A_13 : vector<1024xi32> to vector<1024x1xi32>
    %broadcast_in_dim3A_15 = vector.shape_cast %argmax3A_13 : vector<1024xi32> to vector<1024x1xi32>
    %eq3A_16 = vector.broadcast %broadcast_in_dim3A_15 : vector<1024x1xi32> to vector<1024x256xi32>
    %eq3A_17 = arith.cmpi eq, %iota3A, %eq3A_16 : vector<1024x256xi32>
    %jit3A_18 = arith.constant -1.000000e+30 : f32
    %broadcast_in_dim3A_19 = vector.broadcast %jit3A_18 : f32 to vector<1024x256xf32>
    %select_n3A_20 = arith.select %eq3A_17, %broadcast_in_dim3A_19, %select_n3A_12 : vector<1024x256xi1>, vector<1024x256xf32>
    %argmax3A_21 = tpu.reduce_index %select_n3A_20 {axis = 1 : i32, kind = #tpu.reduction_kind<arg_max>} : vector<1024x256xf32> -> vector<1024xi32>
    %broadcast_in_dim3A_22 = vector.shape_cast %argmax3A_21 : vector<1024xi32> to vector<1024x1xi32>
    %broadcast_in_dim3A_23 = vector.shape_cast %argmax3A_21 : vector<1024xi32> to vector<1024x1xi32>
    %eq3A_24 = vector.broadcast %broadcast_in_dim3A_23 : vector<1024x1xi32> to vector<1024x256xi32>
    %eq3A_25 = arith.cmpi eq, %iota3A, %eq3A_24 : vector<1024x256xi32>
    %jit3A_26 = arith.constant -1.000000e+30 : f32
    %broadcast_in_dim3A_27 = vector.broadcast %jit3A_26 : f32 to vector<1024x256xf32>
    %select_n3A_28 = arith.select %eq3A_25, %broadcast_in_dim3A_27, %select_n3A_20 : vector<1024x256xi1>, vector<1024x256xf32>
    %argmax3A_29 = tpu.reduce_index %select_n3A_28 {axis = 1 : i32, kind = #tpu.reduction_kind<arg_max>} : vector<1024x256xf32> -> vector<1024xi32>
    %broadcast_in_dim3A_30 = vector.shape_cast %argmax3A_29 : vector<1024xi32> to vector<1024x1xi32>
    %broadcast_in_dim3A_31 = vector.shape_cast %argmax3A_29 : vector<1024xi32> to vector<1024x1xi32>
    %eq3A_32 = vector.broadcast %broadcast_in_dim3A_31 : vector<1024x1xi32> to vector<1024x256xi32>
    %eq3A_33 = arith.cmpi eq, %iota3A, %eq3A_32 : vector<1024x256xi32>
    %jit3A_34 = arith.constant -1.000000e+30 : f32
    %broadcast_in_dim3A_35 = vector.broadcast %jit3A_34 : f32 to vector<1024x256xf32>
    %select_n3A_36 = arith.select %eq3A_33, %broadcast_in_dim3A_35, %select_n3A_28 : vector<1024x256xi1>, vector<1024x256xf32>
    %argmax3A_37 = tpu.reduce_index %select_n3A_36 {axis = 1 : i32, kind = #tpu.reduction_kind<arg_max>} : vector<1024x256xf32> -> vector<1024xi32>
    %broadcast_in_dim3A_38 = vector.shape_cast %argmax3A_37 : vector<1024xi32> to vector<1024x1xi32>
    %broadcast_in_dim3A_39 = vector.shape_cast %argmax3A_37 : vector<1024xi32> to vector<1024x1xi32>
    %eq3A_40 = vector.broadcast %broadcast_in_dim3A_39 : vector<1024x1xi32> to vector<1024x256xi32>
    %eq3A_41 = arith.cmpi eq, %iota3A, %eq3A_40 : vector<1024x256xi32>
    %jit3A_42 = arith.constant -1.000000e+30 : f32
    %broadcast_in_dim3A_43 = vector.broadcast %jit3A_42 : f32 to vector<1024x256xf32>
    %select_n3A_44 = arith.select %eq3A_41, %broadcast_in_dim3A_43, %select_n3A_36 : vector<1024x256xi1>, vector<1024x256xf32>
    %argmax3A_45 = tpu.reduce_index %select_n3A_44 {axis = 1 : i32, kind = #tpu.reduction_kind<arg_max>} : vector<1024x256xf32> -> vector<1024xi32>
    %broadcast_in_dim3A_46 = vector.shape_cast %argmax3A_45 : vector<1024xi32> to vector<1024x1xi32>
    %broadcast_in_dim3A_47 = vector.shape_cast %argmax3A_45 : vector<1024xi32> to vector<1024x1xi32>
    %eq3A_48 = vector.broadcast %broadcast_in_dim3A_47 : vector<1024x1xi32> to vector<1024x256xi32>
    %eq3A_49 = arith.cmpi eq, %iota3A, %eq3A_48 : vector<1024x256xi32>
    %jit3A_50 = arith.constant -1.000000e+30 : f32
    %broadcast_in_dim3A_51 = vector.broadcast %jit3A_50 : f32 to vector<1024x256xf32>
    %select_n3A_52 = arith.select %eq3A_49, %broadcast_in_dim3A_51, %select_n3A_44 : vector<1024x256xi1>, vector<1024x256xf32>
    %argmax3A_53 = tpu.reduce_index %select_n3A_52 {axis = 1 : i32, kind = #tpu.reduction_kind<arg_max>} : vector<1024x256xf32> -> vector<1024xi32>
    %broadcast_in_dim3A_54 = vector.shape_cast %argmax3A_53 : vector<1024xi32> to vector<1024x1xi32>
    %broadcast_in_dim3A_55 = vector.shape_cast %argmax3A_53 : vector<1024xi32> to vector<1024x1xi32>
    %eq3A_56 = vector.broadcast %broadcast_in_dim3A_55 : vector<1024x1xi32> to vector<1024x256xi32>
    %eq3A_57 = arith.cmpi eq, %iota3A, %eq3A_56 : vector<1024x256xi32>
    %jit3A_58 = arith.constant -1.000000e+30 : f32
    %broadcast_in_dim3A_59 = vector.broadcast %jit3A_58 : f32 to vector<1024x256xf32>
    %select_n3A_60 = arith.select %eq3A_57, %broadcast_in_dim3A_59, %select_n3A_52 : vector<1024x256xi1>, vector<1024x256xf32>
    %argmax3A_61 = tpu.reduce_index %select_n3A_60 {axis = 1 : i32, kind = #tpu.reduction_kind<arg_max>} : vector<1024x256xf32> -> vector<1024xi32>
    %broadcast_in_dim3A_62 = vector.shape_cast %argmax3A_61 : vector<1024xi32> to vector<1024x1xi32>
    %broadcast_in_dim3A_63 = vector.shape_cast %argmax3A_61 : vector<1024xi32> to vector<1024x1xi32>
    %eq3A_64 = vector.broadcast %broadcast_in_dim3A_63 : vector<1024x1xi32> to vector<1024x256xi32>
    %eq3A_65 = arith.cmpi eq, %iota3A, %eq3A_64 : vector<1024x256xi32>
    %jit3A_66 = arith.constant -1.000000e+30 : f32
    %broadcast_in_dim3A_67 = vector.broadcast %jit3A_66 : f32 to vector<1024x256xf32>
    %select_n3A_68 = arith.select %eq3A_65, %broadcast_in_dim3A_67, %select_n3A_60 : vector<1024x256xi1>, vector<1024x256xf32>
    %argmax3A_69 = tpu.reduce_index %select_n3A_68 {axis = 1 : i32, kind = #tpu.reduction_kind<arg_max>} : vector<1024x256xf32> -> vector<1024xi32>
    %broadcast_in_dim3A_70 = vector.shape_cast %argmax3A_69 : vector<1024xi32> to vector<1024x1xi32>
    %broadcast_in_dim3A_71 = vector.shape_cast %argmax3A_69 : vector<1024xi32> to vector<1024x1xi32>
    %eq3A_72 = vector.broadcast %broadcast_in_dim3A_71 : vector<1024x1xi32> to vector<1024x256xi32>
    %eq3A_73 = arith.cmpi eq, %iota3A, %eq3A_72 : vector<1024x256xi32>
    %jit3A_74 = arith.constant -1.000000e+30 : f32
    %broadcast_in_dim3A_75 = vector.broadcast %jit3A_74 : f32 to vector<1024x256xf32>
    %select_n3A_76 = arith.select %eq3A_73, %broadcast_in_dim3A_75, %select_n3A_68 : vector<1024x256xi1>, vector<1024x256xf32>
    %argmax3A_77 = tpu.reduce_index %select_n3A_76 {axis = 1 : i32, kind = #tpu.reduction_kind<arg_max>} : vector<1024x256xf32> -> vector<1024xi32>
    %broadcast_in_dim3A_78 = vector.shape_cast %argmax3A_77 : vector<1024xi32> to vector<1024x1xi32>
    %broadcast_in_dim3A_79 = vector.shape_cast %argmax3A_77 : vector<1024xi32> to vector<1024x1xi32>
    %eq3A_80 = vector.broadcast %broadcast_in_dim3A_79 : vector<1024x1xi32> to vector<1024x256xi32>
    %eq3A_81 = arith.cmpi eq, %iota3A, %eq3A_80 : vector<1024x256xi32>
    %jit3A_82 = arith.constant -1.000000e+30 : f32
    %broadcast_in_dim3A_83 = vector.broadcast %jit3A_82 : f32 to vector<1024x256xf32>
    %select_n3A_84 = arith.select %eq3A_81, %broadcast_in_dim3A_83, %select_n3A_76 : vector<1024x256xi1>, vector<1024x256xf32>
    %argmax3A_85 = tpu.reduce_index %select_n3A_84 {axis = 1 : i32, kind = #tpu.reduction_kind<arg_max>} : vector<1024x256xf32> -> vector<1024xi32>
    %broadcast_in_dim3A_86 = vector.shape_cast %argmax3A_85 : vector<1024xi32> to vector<1024x1xi32>
    %broadcast_in_dim3A_87 = vector.shape_cast %argmax3A_85 : vector<1024xi32> to vector<1024x1xi32>
    %eq3A_88 = vector.broadcast %broadcast_in_dim3A_87 : vector<1024x1xi32> to vector<1024x256xi32>
    %eq3A_89 = arith.cmpi eq, %iota3A, %eq3A_88 : vector<1024x256xi32>
    %jit3A_90 = arith.constant -1.000000e+30 : f32
    %broadcast_in_dim3A_91 = vector.broadcast %jit3A_90 : f32 to vector<1024x256xf32>
    %select_n3A_92 = arith.select %eq3A_89, %broadcast_in_dim3A_91, %select_n3A_84 : vector<1024x256xi1>, vector<1024x256xf32>
    %argmax3A_93 = tpu.reduce_index %select_n3A_92 {axis = 1 : i32, kind = #tpu.reduction_kind<arg_max>} : vector<1024x256xf32> -> vector<1024xi32>
    %broadcast_in_dim3A_94 = vector.shape_cast %argmax3A_93 : vector<1024xi32> to vector<1024x1xi32>
    %broadcast_in_dim3A_95 = vector.shape_cast %argmax3A_93 : vector<1024xi32> to vector<1024x1xi32>
    %eq3A_96 = vector.broadcast %broadcast_in_dim3A_95 : vector<1024x1xi32> to vector<1024x256xi32>
    %eq3A_97 = arith.cmpi eq, %iota3A, %eq3A_96 : vector<1024x256xi32>
    %jit3A_98 = arith.constant -1.000000e+30 : f32
    %broadcast_in_dim3A_99 = vector.broadcast %jit3A_98 : f32 to vector<1024x256xf32>
    %select_n3A_100 = arith.select %eq3A_97, %broadcast_in_dim3A_99, %select_n3A_92 : vector<1024x256xi1>, vector<1024x256xf32>
    %argmax3A_101 = tpu.reduce_index %select_n3A_100 {axis = 1 : i32, kind = #tpu.reduction_kind<arg_max>} : vector<1024x256xf32> -> vector<1024xi32>
    %broadcast_in_dim3A_102 = vector.shape_cast %argmax3A_101 : vector<1024xi32> to vector<1024x1xi32>
    %broadcast_in_dim3A_103 = vector.shape_cast %argmax3A_101 : vector<1024xi32> to vector<1024x1xi32>
    %eq3A_104 = vector.broadcast %broadcast_in_dim3A_103 : vector<1024x1xi32> to vector<1024x256xi32>
    %eq3A_105 = arith.cmpi eq, %iota3A, %eq3A_104 : vector<1024x256xi32>
    %jit3A_106 = arith.constant -1.000000e+30 : f32
    %broadcast_in_dim3A_107 = vector.broadcast %jit3A_106 : f32 to vector<1024x256xf32>
    %select_n3A_108 = arith.select %eq3A_105, %broadcast_in_dim3A_107, %select_n3A_100 : vector<1024x256xi1>, vector<1024x256xf32>
    %argmax3A_109 = tpu.reduce_index %select_n3A_108 {axis = 1 : i32, kind = #tpu.reduction_kind<arg_max>} : vector<1024x256xf32> -> vector<1024xi32>
    %broadcast_in_dim3A_110 = vector.shape_cast %argmax3A_109 : vector<1024xi32> to vector<1024x1xi32>
    %broadcast_in_dim3A_111 = vector.shape_cast %argmax3A_109 : vector<1024xi32> to vector<1024x1xi32>
    %eq3A_112 = vector.broadcast %broadcast_in_dim3A_111 : vector<1024x1xi32> to vector<1024x256xi32>
    %eq3A_113 = arith.cmpi eq, %iota3A, %eq3A_112 : vector<1024x256xi32>
    %jit3A_114 = arith.constant -1.000000e+30 : f32
    %broadcast_in_dim3A_115 = vector.broadcast %jit3A_114 : f32 to vector<1024x256xf32>
    %select_n3A_116 = arith.select %eq3A_113, %broadcast_in_dim3A_115, %select_n3A_108 : vector<1024x256xi1>, vector<1024x256xf32>
    %argmax3A_117 = tpu.reduce_index %select_n3A_116 {axis = 1 : i32, kind = #tpu.reduction_kind<arg_max>} : vector<1024x256xf32> -> vector<1024xi32>
    %broadcast_in_dim3A_118 = vector.shape_cast %argmax3A_117 : vector<1024xi32> to vector<1024x1xi32>
    %concatenate3A = tpu.concatenate %broadcast_in_dim3A, %broadcast_in_dim3A_6, %broadcast_in_dim3A_14, %broadcast_in_dim3A_22, %broadcast_in_dim3A_30, %broadcast_in_dim3A_38, %broadcast_in_dim3A_46, %broadcast_in_dim3A_54, %broadcast_in_dim3A_62, %broadcast_in_dim3A_70, %broadcast_in_dim3A_78, %broadcast_in_dim3A_86, %broadcast_in_dim3A_94, %broadcast_in_dim3A_102, %broadcast_in_dim3A_110, %broadcast_in_dim3A_118 in 1 : vector<1024x1xi32>, vector<1024x1xi32>, vector<1024x1xi32>, vector<1024x1xi32>, vector<1024x1xi32>, vector<1024x1xi32>, vector<1024x1xi32>, vector<1024x1xi32>, vector<1024x1xi32>, vector<1024x1xi32>, vector<1024x1xi32>, vector<1024x1xi32>, vector<1024x1xi32>, vector<1024x1xi32>, vector<1024x1xi32>, vector<1024x1xi32> -> vector<1024x16xi32>
    %swap3A = arith.constant 0 : index
    %swap3A_119 = arith.constant 0 : index
    %swap3A_120 = vector.load %arg2[%swap3A, %swap3A_119] : memref<1024x16xi32, #tpu.memory_space<vmem>>, vector<1024x16xi32>
    tpu.vector_store %arg2[%swap3A, %swap3A_119], %concatenate3A {strides = array<i32>} : memref<1024x16xi32, #tpu.memory_space<vmem>>, vector<1024x16xi32>,
    %get3A_121 = arith.constant 0 : index
    %get3A_122 = arith.constant 0 : index
    %get3A_123 = vector.load %arg1[%get3A_121, %get3A_122] : memref<1024x1xf32, #tpu.memory_space<vmem>>, vector<1024x1xf32>
    %iota3A_124 = tpu.iota {dimensions = array<i32: 1>} : vector<1024x64xi32>
    %convert_element_type3A = arith.sitofp %iota3A_124 : vector<1024x64xi32> to vector<1024x64xf32>
    %eq3A_125 = vector.broadcast %get3A_123 : vector<1024x1xf32> to vector<1024x64xf32>
    %eq3A_126 = arith.cmpf oeq, %convert_element_type3A, %eq3A_125 : vector<1024x64xf32>
    %convert_element_type3A_127 = arith.extui %eq3A_126 : vector<1024x64xi1> to vector<1024x64xi32>
    %convert_element_type3A_128 = arith.sitofp %convert_element_type3A_127 : vector<1024x64xi32> to vector<1024x64xf32>
    %iota3A_129 = tpu.iota {dimensions = array<i32: 0>} : vector<1024x1024xi32>
    %iota3A_130 = tpu.iota {dimensions = array<i32: 1>} : vector<1024x1024xi32>
    %le3A = arith.cmpi sle, %iota3A_130, %iota3A_129 : vector<1024x1024xi32>
    %convert_element_type3A_131 = arith.extui %le3A : vector<1024x1024xi1> to vector<1024x1024xi32>
    %convert_element_type3A_132 = arith.sitofp %convert_element_type3A_131 : vector<1024x1024xi32> to vector<1024x1024xf32>
    %dot_general3A = arith.constant dense<0.000000e+00> : vector<1024x64xf32>
    %dot_general3A_133 = tpu.matmul %convert_element_type3A_132, %convert_element_type3A_128, %dot_general3A {dimension_numbers = #tpu.dot_dimension_numbers<[1], [0], [0], [1], [0, 0, 1, 1], [], []>, transpose_lhs_hint = false} : vector<1024x1024xf32>, vector<1024x64xf32>, vector<1024x64xf32> -> vector<1024x64xf32>
    %mul3A = arith.mulf %dot_general3A_133, %convert_element_type3A_128 : vector<1024x64xf32>
    %reduce_sum3A = arith.constant dense<0.000000e+00> : vector<1024xf32>
    %reduce_sum3A_134 = vector.multi_reduction <add>, %mul3A, %reduce_sum3A [1] : vector<1024x64xf32> to vector<1024xf32>
    %broadcast_in_dim3A_135 = vector.shape_cast %reduce_sum3A_134 : vector<1024xf32> to vector<1024x1xf32>
    %iota3A_136 = tpu.iota {dimensions = array<i32: 0>} : vector<64x64xi32>
    %iota3A_137 = tpu.iota {dimensions = array<i32: 1>} : vector<64x64xi32>
    %le3A_138 = arith.cmpi sle, %iota3A_136, %iota3A_137 : vector<64x64xi32>
    %convert_element_type3A_139 = arith.extui %le3A_138 : vector<64x64xi1> to vector<64x64xi32>
    %convert_element_type3A_140 = arith.sitofp %convert_element_type3A_139 : vector<64x64xi32> to vector<64x64xf32>
    %broadcast_in_dim3A_141 = arith.constant 1.000000e+00 : f32
    %broadcast_in_dim3A_142 = vector.broadcast %broadcast_in_dim3A_141 : f32 to vector<1x1024xf32>
    %dot_general3A_143 = arith.constant dense<0.000000e+00> : vector<1x64xf32>
    %dot_general3A_144 = tpu.matmul %broadcast_in_dim3A_142, %convert_element_type3A_128, %dot_general3A_143 {dimension_numbers = #tpu.dot_dimension_numbers<[1], [0], [0], [1], [0, 0, 1, 1], [], []>, transpose_lhs_hint = false} : vector<1x1024xf32>, vector<1024x64xf32>, vector<1x64xf32> -> vector<1x64xf32>
    %dot_general3A_145 = arith.constant dense<0.000000e+00> : vector<1x64xf32>
    %dot_general3A_146 = tpu.matmul %dot_general3A_144, %convert_element_type3A_140, %dot_general3A_145 {dimension_numbers = #tpu.dot_dimension_numbers<[1], [0], [0], [1], [0, 0, 1, 1], [], []>, transpose_lhs_hint = false} : vector<1x64xf32>, vector<64x64xf32>, vector<1x64xf32> -> vector<1x64xf32>
    %sub3A = arith.subf %dot_general3A_146, %dot_general3A_144 : vector<1x64xf32>
    %mul3A_147 = vector.broadcast %sub3A : vector<1x64xf32> to vector<1024x64xf32>
    %mul3A_148 = arith.mulf %convert_element_type3A_128, %mul3A_147 : vector<1024x64xf32>
    %reduce_sum3A_149 = arith.constant dense<0.000000e+00> : vector<1024xf32>
    %reduce_sum3A_150 = vector.multi_reduction <add>, %mul3A_148, %reduce_sum3A_149 [1] : vector<1024x64xf32> to vector<1024xf32>
    %broadcast_in_dim3A_151 = vector.shape_cast %reduce_sum3A_150 : vector<1024xf32> to vector<1024x1xf32>
    %add3A = arith.addf %broadcast_in_dim3A_151, %broadcast_in_dim3A_135 : vector<1024x1xf32>
    %sub3A_152 = arith.constant 1.000000e+00 : f32
    %sub3A_153 = vector.broadcast %sub3A_152 : f32 to vector<1024x1xf32>
    %sub3A_154 = arith.subf %add3A, %sub3A_153 : vector<1024x1xf32>
    %iota3A_155 = tpu.iota {dimensions = array<i32: 1>} : vector<1024x1024xi32>
    %convert_element_type3A_156 = arith.sitofp %iota3A_155 : vector<1024x1024xi32> to vector<1024x1024xf32>
    %eq3A_157 = vector.broadcast %sub3A_154 : vector<1024x1xf32> to vector<1024x1024xf32>
    %eq3A_158 = arith.cmpf oeq, %eq3A_157, %convert_element_type3A_156 : vector<1024x1024xf32>
    %convert_element_type3A_159 = arith.extui %eq3A_158 : vector<1024x1024xi1> to vector<1024x1024xi32>
    %convert_element_type3A_160 = arith.sitofp %convert_element_type3A_159 : vector<1024x1024xi32> to vector<1024x1024xf32>
    %iota3A_161 = tpu.iota {dimensions = array<i32: 1>} : vector<1x1024xi32>
    %convert_element_type3A_162 = arith.sitofp %iota3A_161 : vector<1x1024xi32> to vector<1x1024xf32>
    %mul3A_163 = arith.constant 2.500000e-01 : f32
    %mul3A_164 = vector.broadcast %mul3A_163 : f32 to vector<1x1024xf32>
    %mul3A_165 = arith.mulf %convert_element_type3A_162, %mul3A_164 : vector<1x1024xf32>
    %floor3A = math.floor %mul3A_165 : vector<1x1024xf32>
    %mul3A_166 = arith.constant 4.000000e+00 : f32
    %mul3A_167 = vector.broadcast %mul3A_166 : f32 to vector<1x1024xf32>
    %mul3A_168 = arith.mulf %mul3A_167, %floor3A : vector<1x1024xf32>
    %sub3A_169 = arith.subf %convert_element_type3A_162, %mul3A_168 : vector<1x1024xf32>
    %dot_general3A_170 = arith.constant dense<0.000000e+00> : vector<1x1024xf32>
    %dot_general3A_171 = tpu.matmul %floor3A, %convert_element_type3A_160, %dot_general3A_170 {dimension_numbers = #tpu.dot_dimension_numbers<[1], [0], [0], [1], [0, 0, 1, 1], [], []>, transpose_lhs_hint = false} : vector<1x1024xf32>, vector<1024x1024xf32>, vector<1x1024xf32> -> vector<1x1024xf32>
    %mul3A_172 = arith.constant 4.000000e+00 : f32
    %mul3A_173 = vector.broadcast %mul3A_172 : f32 to vector<1x1024xf32>
    %mul3A_174 = arith.mulf %mul3A_173, %dot_general3A_171 : vector<1x1024xf32>
    %dot_general3A_175 = arith.constant dense<0.000000e+00> : vector<1x1024xf32>
    %dot_general3A_176 = tpu.matmul %sub3A_169, %convert_element_type3A_160, %dot_general3A_175 {dimension_numbers = #tpu.dot_dimension_numbers<[1], [0], [0], [1], [0, 0, 1, 1], [], []>, transpose_lhs_hint = false} : vector<1x1024xf32>, vector<1024x1024xf32>, vector<1x1024xf32> -> vector<1x1024xf32>
    %add3A_177 = arith.addf %mul3A_174, %dot_general3A_176 : vector<1x1024xf32>
    %reshape3A = vector.shape_cast %get3A_123 : vector<1024x1xf32> to vector<1x1024xf32>
    %dot_general3A_178 = arith.constant dense<0.000000e+00> : vector<1x1024xf32>
    %dot_general3A_179 = tpu.matmul %reshape3A, %convert_element_type3A_160, %dot_general3A_178 {dimension_numbers = #tpu.dot_dimension_numbers<[1], [0], [0], [1], [0, 0, 1, 1], [], []>, transpose_lhs_hint = false} : vector<1x1024xf32>, vector<1024x1024xf32>, vector<1x1024xf32> -> vector<1x1024xf32>
    %broadcast_in_dim3A_180 = arith.constant 0.000000e+00 : f32
    %broadcast_in_dim3A_181 = vector.broadcast %broadcast_in_dim3A_180 : f32 to vector<1x960xf32>
    %concatenate3A_182 = tpu.concatenate %sub3A, %broadcast_in_dim3A_181 in 1 : vector<1x64xf32>, vector<1x960xf32> -> vector<1x1024xf32>
    %concatenate3A_183 = tpu.concatenate %dot_general3A_144, %broadcast_in_dim3A_181 in 1 : vector<1x64xf32>, vector<1x960xf32> -> vector<1x1024xf32>
    %broadcast_in_dim3A_184 = arith.constant 0.000000e+00 : f32
    %broadcast_in_dim3A_185 = vector.broadcast %broadcast_in_dim3A_184 : f32 to vector<4x1024xf32>
    %concatenate3A_186 = tpu.concatenate %add3A_177, %dot_general3A_179, %concatenate3A_182, %concatenate3A_183, %broadcast_in_dim3A_185 in 0 : vector<1x1024xf32>, vector<1x1024xf32>, vector<1x1024xf32>, vector<1x1024xf32>, vector<4x1024xf32> -> vector<8x1024xf32>
    %convert_element_type3A_187 = arith.fptosi %concatenate3A_186 : vector<8x1024xf32> to vector<8x1024xi32>
    %swap3A_188 = arith.constant 0 : index
    %swap3A_189 = arith.constant 0 : index
    %swap3A_190 = vector.load %arg3[%swap3A_188, %swap3A_189] : memref<8x1024xi32, #tpu.memory_space<vmem>>, vector<8x1024xi32>
    tpu.vector_store %arg3[%swap3A_188, %swap3A_189], %convert_element_type3A_187 {strides = array<i32>} : memref<8x1024xi32, #tpu.memory_space<vmem>>, vector<8x1024xi32>,
    return
  }
}

module attributes {stable_mosaic.version = 14 : i64} {
  func.func @_k3_body(%arg0: i32, %arg1: memref<1024xi32, #tpu.memory_space<smem>>, %arg2: memref<1024xi32, #tpu.memory_space<smem>>, %arg3: memref<1x1x16xi32, #tpu.memory_space<smem>>, %arg4: memref<1x256x512xf32, #tpu.memory_space<vmem>>, %arg5: memref<1x1x512xf32, #tpu.memory_space<vmem>>) attributes {dimension_semantics = [#tpu.dimension_semantics<arbitrary>], iteration_bounds = array<i64: 1024>, scalar_prefetch = 2 : i64, scratch_operands = 0 : i64, tpu.core_type = #tpu.core_type<tc>, window_params = [{transform_indices = @transform_0, window_bounds = array<i64: 1, 1, 16>}, {transform_indices = @transform_1, window_bounds = array<i64: 1, 256, 512>}, {transform_indices = @transform_2, window_bounds = array<i64: 1, 1, 512>}]} {
    %broadcast_in_dim3A = arith.constant 0.000000e+00 : f32
    %broadcast_in_dim3A_0 = vector.broadcast %broadcast_in_dim3A : f32 to vector<1x512xf32>
    %get3A = arith.constant 0 : index
    %get3A_1 = arith.constant 0 : index
    %get3A_2 = arith.constant 0 : index
    %get3A_3 = memref.load %arg3[%get3A, %get3A_1, %get3A_2] : memref<1x1x16xi32, #tpu.memory_space<smem>>
    %get3A_4 = arith.constant 0 : index
    %get3A_5 = arith.index_cast %get3A_3 : i32 to index
    %get3A_6 = arith.constant 0 : index
    %get3A_7 = vector.load %arg4[%get3A_4, %get3A_5, %get3A_6] : memref<1x256x512xf32, #tpu.memory_space<vmem>>, vector<1x1x512xf32>
    %get3A_8 = vector.shape_cast %get3A_7 : vector<1x1x512xf32> to vector<1x512xf32>
    %add3A = arith.addf %broadcast_in_dim3A_0, %get3A_8 : vector<1x512xf32>
    %get3A_9 = arith.constant 0 : index
    %get3A_10 = arith.constant 0 : index
    %get3A_11 = arith.constant 1 : index
    %get3A_12 = memref.load %arg3[%get3A_9, %get3A_10, %get3A_11] : memref<1x1x16xi32, #tpu.memory_space<smem>>
    %get3A_13 = arith.constant 0 : index
    %get3A_14 = arith.index_cast %get3A_12 : i32 to index
    %get3A_15 = arith.constant 0 : index
    %get3A_16 = vector.load %arg4[%get3A_13, %get3A_14, %get3A_15] : memref<1x256x512xf32, #tpu.memory_space<vmem>>, vector<1x1x512xf32>
    %get3A_17 = vector.shape_cast %get3A_16 : vector<1x1x512xf32> to vector<1x512xf32>
    %add3A_18 = arith.addf %add3A, %get3A_17 : vector<1x512xf32>
    %get3A_19 = arith.constant 0 : index
    %get3A_20 = arith.constant 0 : index
    %get3A_21 = arith.constant 2 : index
    %get3A_22 = memref.load %arg3[%get3A_19, %get3A_20, %get3A_21] : memref<1x1x16xi32, #tpu.memory_space<smem>>
    %get3A_23 = arith.constant 0 : index
    %get3A_24 = arith.index_cast %get3A_22 : i32 to index
    %get3A_25 = arith.constant 0 : index
    %get3A_26 = vector.load %arg4[%get3A_23, %get3A_24, %get3A_25] : memref<1x256x512xf32, #tpu.memory_space<vmem>>, vector<1x1x512xf32>
    %get3A_27 = vector.shape_cast %get3A_26 : vector<1x1x512xf32> to vector<1x512xf32>
    %add3A_28 = arith.addf %add3A_18, %get3A_27 : vector<1x512xf32>
    %get3A_29 = arith.constant 0 : index
    %get3A_30 = arith.constant 0 : index
    %get3A_31 = arith.constant 3 : index
    %get3A_32 = memref.load %arg3[%get3A_29, %get3A_30, %get3A_31] : memref<1x1x16xi32, #tpu.memory_space<smem>>
    %get3A_33 = arith.constant 0 : index
    %get3A_34 = arith.index_cast %get3A_32 : i32 to index
    %get3A_35 = arith.constant 0 : index
    %get3A_36 = vector.load %arg4[%get3A_33, %get3A_34, %get3A_35] : memref<1x256x512xf32, #tpu.memory_space<vmem>>, vector<1x1x512xf32>
    %get3A_37 = vector.shape_cast %get3A_36 : vector<1x1x512xf32> to vector<1x512xf32>
    %add3A_38 = arith.addf %add3A_28, %get3A_37 : vector<1x512xf32>
    %get3A_39 = arith.constant 0 : index
    %get3A_40 = arith.constant 0 : index
    %get3A_41 = arith.constant 4 : index
    %get3A_42 = memref.load %arg3[%get3A_39, %get3A_40, %get3A_41] : memref<1x1x16xi32, #tpu.memory_space<smem>>
    %get3A_43 = arith.constant 0 : index
    %get3A_44 = arith.index_cast %get3A_42 : i32 to index
    %get3A_45 = arith.constant 0 : index
    %get3A_46 = vector.load %arg4[%get3A_43, %get3A_44, %get3A_45] : memref<1x256x512xf32, #tpu.memory_space<vmem>>, vector<1x1x512xf32>
    %get3A_47 = vector.shape_cast %get3A_46 : vector<1x1x512xf32> to vector<1x512xf32>
    %add3A_48 = arith.addf %add3A_38, %get3A_47 : vector<1x512xf32>
    %get3A_49 = arith.constant 0 : index
    %get3A_50 = arith.constant 0 : index
    %get3A_51 = arith.constant 5 : index
    %get3A_52 = memref.load %arg3[%get3A_49, %get3A_50, %get3A_51] : memref<1x1x16xi32, #tpu.memory_space<smem>>
    %get3A_53 = arith.constant 0 : index
    %get3A_54 = arith.index_cast %get3A_52 : i32 to index
    %get3A_55 = arith.constant 0 : index
    %get3A_56 = vector.load %arg4[%get3A_53, %get3A_54, %get3A_55] : memref<1x256x512xf32, #tpu.memory_space<vmem>>, vector<1x1x512xf32>
    %get3A_57 = vector.shape_cast %get3A_56 : vector<1x1x512xf32> to vector<1x512xf32>
    %add3A_58 = arith.addf %add3A_48, %get3A_57 : vector<1x512xf32>
    %get3A_59 = arith.constant 0 : index
    %get3A_60 = arith.constant 0 : index
    %get3A_61 = arith.constant 6 : index
    %get3A_62 = memref.load %arg3[%get3A_59, %get3A_60, %get3A_61] : memref<1x1x16xi32, #tpu.memory_space<smem>>
    %get3A_63 = arith.constant 0 : index
    %get3A_64 = arith.index_cast %get3A_62 : i32 to index
    %get3A_65 = arith.constant 0 : index
    %get3A_66 = vector.load %arg4[%get3A_63, %get3A_64, %get3A_65] : memref<1x256x512xf32, #tpu.memory_space<vmem>>, vector<1x1x512xf32>
    %get3A_67 = vector.shape_cast %get3A_66 : vector<1x1x512xf32> to vector<1x512xf32>
    %add3A_68 = arith.addf %add3A_58, %get3A_67 : vector<1x512xf32>
    %get3A_69 = arith.constant 0 : index
    %get3A_70 = arith.constant 0 : index
    %get3A_71 = arith.constant 7 : index
    %get3A_72 = memref.load %arg3[%get3A_69, %get3A_70, %get3A_71] : memref<1x1x16xi32, #tpu.memory_space<smem>>
    %get3A_73 = arith.constant 0 : index
    %get3A_74 = arith.index_cast %get3A_72 : i32 to index
    %get3A_75 = arith.constant 0 : index
    %get3A_76 = vector.load %arg4[%get3A_73, %get3A_74, %get3A_75] : memref<1x256x512xf32, #tpu.memory_space<vmem>>, vector<1x1x512xf32>
    %get3A_77 = vector.shape_cast %get3A_76 : vector<1x1x512xf32> to vector<1x512xf32>
    %add3A_78 = arith.addf %add3A_68, %get3A_77 : vector<1x512xf32>
    %get3A_79 = arith.constant 0 : index
    %get3A_80 = arith.constant 0 : index
    %get3A_81 = arith.constant 8 : index
    %get3A_82 = memref.load %arg3[%get3A_79, %get3A_80, %get3A_81] : memref<1x1x16xi32, #tpu.memory_space<smem>>
    %get3A_83 = arith.constant 0 : index
    %get3A_84 = arith.index_cast %get3A_82 : i32 to index
    %get3A_85 = arith.constant 0 : index
    %get3A_86 = vector.load %arg4[%get3A_83, %get3A_84, %get3A_85] : memref<1x256x512xf32, #tpu.memory_space<vmem>>, vector<1x1x512xf32>
    %get3A_87 = vector.shape_cast %get3A_86 : vector<1x1x512xf32> to vector<1x512xf32>
    %add3A_88 = arith.addf %add3A_78, %get3A_87 : vector<1x512xf32>
    %get3A_89 = arith.constant 0 : index
    %get3A_90 = arith.constant 0 : index
    %get3A_91 = arith.constant 9 : index
    %get3A_92 = memref.load %arg3[%get3A_89, %get3A_90, %get3A_91] : memref<1x1x16xi32, #tpu.memory_space<smem>>
    %get3A_93 = arith.constant 0 : index
    %get3A_94 = arith.index_cast %get3A_92 : i32 to index
    %get3A_95 = arith.constant 0 : index
    %get3A_96 = vector.load %arg4[%get3A_93, %get3A_94, %get3A_95] : memref<1x256x512xf32, #tpu.memory_space<vmem>>, vector<1x1x512xf32>
    %get3A_97 = vector.shape_cast %get3A_96 : vector<1x1x512xf32> to vector<1x512xf32>
    %add3A_98 = arith.addf %add3A_88, %get3A_97 : vector<1x512xf32>
    %get3A_99 = arith.constant 0 : index
    %get3A_100 = arith.constant 0 : index
    %get3A_101 = arith.constant 10 : index
    %get3A_102 = memref.load %arg3[%get3A_99, %get3A_100, %get3A_101] : memref<1x1x16xi32, #tpu.memory_space<smem>>
    %get3A_103 = arith.constant 0 : index
    %get3A_104 = arith.index_cast %get3A_102 : i32 to index
    %get3A_105 = arith.constant 0 : index
    %get3A_106 = vector.load %arg4[%get3A_103, %get3A_104, %get3A_105] : memref<1x256x512xf32, #tpu.memory_space<vmem>>, vector<1x1x512xf32>
    %get3A_107 = vector.shape_cast %get3A_106 : vector<1x1x512xf32> to vector<1x512xf32>
    %add3A_108 = arith.addf %add3A_98, %get3A_107 : vector<1x512xf32>
    %get3A_109 = arith.constant 0 : index
    %get3A_110 = arith.constant 0 : index
    %get3A_111 = arith.constant 11 : index
    %get3A_112 = memref.load %arg3[%get3A_109, %get3A_110, %get3A_111] : memref<1x1x16xi32, #tpu.memory_space<smem>>
    %get3A_113 = arith.constant 0 : index
    %get3A_114 = arith.index_cast %get3A_112 : i32 to index
    %get3A_115 = arith.constant 0 : index
    %get3A_116 = vector.load %arg4[%get3A_113, %get3A_114, %get3A_115] : memref<1x256x512xf32, #tpu.memory_space<vmem>>, vector<1x1x512xf32>
    %get3A_117 = vector.shape_cast %get3A_116 : vector<1x1x512xf32> to vector<1x512xf32>
    %add3A_118 = arith.addf %add3A_108, %get3A_117 : vector<1x512xf32>
    %get3A_119 = arith.constant 0 : index
    %get3A_120 = arith.constant 0 : index
    %get3A_121 = arith.constant 12 : index
    %get3A_122 = memref.load %arg3[%get3A_119, %get3A_120, %get3A_121] : memref<1x1x16xi32, #tpu.memory_space<smem>>
    %get3A_123 = arith.constant 0 : index
    %get3A_124 = arith.index_cast %get3A_122 : i32 to index
    %get3A_125 = arith.constant 0 : index
    %get3A_126 = vector.load %arg4[%get3A_123, %get3A_124, %get3A_125] : memref<1x256x512xf32, #tpu.memory_space<vmem>>, vector<1x1x512xf32>
    %get3A_127 = vector.shape_cast %get3A_126 : vector<1x1x512xf32> to vector<1x512xf32>
    %add3A_128 = arith.addf %add3A_118, %get3A_127 : vector<1x512xf32>
    %get3A_129 = arith.constant 0 : index
    %get3A_130 = arith.constant 0 : index
    %get3A_131 = arith.constant 13 : index
    %get3A_132 = memref.load %arg3[%get3A_129, %get3A_130, %get3A_131] : memref<1x1x16xi32, #tpu.memory_space<smem>>
    %get3A_133 = arith.constant 0 : index
    %get3A_134 = arith.index_cast %get3A_132 : i32 to index
    %get3A_135 = arith.constant 0 : index
    %get3A_136 = vector.load %arg4[%get3A_133, %get3A_134, %get3A_135] : memref<1x256x512xf32, #tpu.memory_space<vmem>>, vector<1x1x512xf32>
    %get3A_137 = vector.shape_cast %get3A_136 : vector<1x1x512xf32> to vector<1x512xf32>
    %add3A_138 = arith.addf %add3A_128, %get3A_137 : vector<1x512xf32>
    %get3A_139 = arith.constant 0 : index
    %get3A_140 = arith.constant 0 : index
    %get3A_141 = arith.constant 14 : index
    %get3A_142 = memref.load %arg3[%get3A_139, %get3A_140, %get3A_141] : memref<1x1x16xi32, #tpu.memory_space<smem>>
    %get3A_143 = arith.constant 0 : index
    %get3A_144 = arith.index_cast %get3A_142 : i32 to index
    %get3A_145 = arith.constant 0 : index
    %get3A_146 = vector.load %arg4[%get3A_143, %get3A_144, %get3A_145] : memref<1x256x512xf32, #tpu.memory_space<vmem>>, vector<1x1x512xf32>
    %get3A_147 = vector.shape_cast %get3A_146 : vector<1x1x512xf32> to vector<1x512xf32>
    %add3A_148 = arith.addf %add3A_138, %get3A_147 : vector<1x512xf32>
    %get3A_149 = arith.constant 0 : index
    %get3A_150 = arith.constant 0 : index
    %get3A_151 = arith.constant 15 : index
    %get3A_152 = memref.load %arg3[%get3A_149, %get3A_150, %get3A_151] : memref<1x1x16xi32, #tpu.memory_space<smem>>
    %get3A_153 = arith.constant 0 : index
    %get3A_154 = arith.index_cast %get3A_152 : i32 to index
    %get3A_155 = arith.constant 0 : index
    %get3A_156 = vector.load %arg4[%get3A_153, %get3A_154, %get3A_155] : memref<1x256x512xf32, #tpu.memory_space<vmem>>, vector<1x1x512xf32>
    %get3A_157 = vector.shape_cast %get3A_156 : vector<1x1x512xf32> to vector<1x512xf32>
    %add3A_158 = arith.addf %add3A_148, %get3A_157 : vector<1x512xf32>
    %swap3A = arith.constant 0 : index
    %swap3A_159 = arith.constant 0 : index
    %swap3A_160 = arith.constant 0 : index
    %swap3A_161 = vector.load %arg5[%swap3A, %swap3A_159, %swap3A_160] : memref<1x1x512xf32, #tpu.memory_space<vmem>>, vector<1x1x512xf32>
    %swap3A_162 = vector.shape_cast %swap3A_161 : vector<1x1x512xf32> to vector<1x512xf32>
    %swap3A_163 = vector.shape_cast %add3A_158 : vector<1x512xf32> to vector<1x1x512xf32>
    tpu.vector_store %arg5[%swap3A, %swap3A_159, %swap3A_160], %swap3A_163 {strides = array<i32>} : memref<1x1x512xf32, #tpu.memory_space<vmem>>, vector<1x1x512xf32>,
    return
  }
  func.func @transform_0(%arg0: i32, %arg1: memref<1024xi32, #tpu.memory_space<smem>>, %arg2: memref<1024xi32, #tpu.memory_space<smem>>) -> (i32, i32, i32) {
    %get3A = arith.index_cast %arg0 : i32 to index
    %get3A_0 = memref.load %arg1[%get3A] : memref<1024xi32, #tpu.memory_space<smem>>
    %c0_i32 = arith.constant 0 : i32
    %c0_i32_1 = arith.constant 0 : i32
    %c0_i32_2 = arith.constant 0 : i32
    return %get3A_0, %c0_i32, %c0_i32_1 : i32, i32, i32
  }
  func.func @transform_1(%arg0: i32, %arg1: memref<1024xi32, #tpu.memory_space<smem>>, %arg2: memref<1024xi32, #tpu.memory_space<smem>>) -> (i32, i32, i32) {
    %get3A = arith.index_cast %arg0 : i32 to index
    %get3A_0 = memref.load %arg2[%get3A] : memref<1024xi32, #tpu.memory_space<smem>>
    %c0_i32 = arith.constant 0 : i32
    %c0_i32_1 = arith.constant 0 : i32
    %c0_i32_2 = arith.constant 0 : i32
    return %get3A_0, %c0_i32, %c0_i32_1 : i32, i32, i32
  }
  func.func @transform_2(%arg0: i32, %arg1: memref<1024xi32, #tpu.memory_space<smem>>, %arg2: memref<1024xi32, #tpu.memory_space<smem>>) -> (i32, i32, i32) {
    %get3A = arith.index_cast %arg0 : i32 to index
    %get3A_0 = memref.load %arg1[%get3A] : memref<1024xi32, #tpu.memory_space<smem>>
    %c0_i32 = arith.constant 0 : i32
    %c0_i32_1 = arith.constant 0 : i32
    %c0_i32_2 = arith.constant 0 : i32
    return %get3A_0, %c0_i32, %c0_i32_1 : i32, i32, i32
  }
}

module attributes {stable_mosaic.version = 14 : i64} {
  func.func @_k2_body(%arg0: i32, %arg1: memref<1024xi32, #tpu.memory_space<smem>>, %arg2: memref<1024xi32, #tpu.memory_space<smem>>, %arg3: memref<1x1x16xi32, #tpu.memory_space<smem>>, %arg4: memref<1x1x512xf32, #tpu.memory_space<vmem>>, %arg5: memref<1x256x512xf32, #tpu.memory_space<vmem>>, %arg6: memref<1x256x512xf32, #tpu.memory_space<vmem>>) attributes {dimension_semantics = [#tpu.dimension_semantics<arbitrary>], iteration_bounds = array<i64: 1024>, scalar_prefetch = 2 : i64, scratch_operands = 0 : i64, tpu.core_type = #tpu.core_type<tc>, window_params = [{transform_indices = @transform_0, window_bounds = array<i64: 1, 1, 16>}, {transform_indices = @transform_1, window_bounds = array<i64: 1, 1, 512>}, {transform_indices = @transform_2, window_bounds = array<i64: 1, 256, 512>}, {transform_indices = @transform_3, window_bounds = array<i64: 1, 256, 512>}]} {
    %get3A = arith.index_cast %arg0 : i32 to index
    %get3A_0 = memref.load %arg2[%get3A] : memref<1024xi32, #tpu.memory_space<smem>>
    %sub3A = arith.constant 1 : i32
    %sub3A_1 = arith.subi %arg0, %sub3A : i32
    %max3A = arith.constant 0 : i32
    %max3A_2 = arith.maxsi %sub3A_1, %max3A : i32
    %get3A_3 = arith.index_cast %max3A_2 : i32 to index
    %get3A_4 = memref.load %arg2[%get3A_3] : memref<1024xi32, #tpu.memory_space<smem>>
    %eq3A = arith.constant 0 : i32
    %eq3A_5 = arith.cmpi eq, %arg0, %eq3A : i32
    %ne3A = arith.cmpi ne, %get3A_0, %get3A_4 : i32
    %or3A = arith.ori %eq3A_5, %ne3A : i1
    %convert_element_type3A = arith.extui %or3A : i1 to i32
    %cond3A = arith.constant 0 : i32
    %cond3A_6 = arith.cmpi ne, %convert_element_type3A, %cond3A : i32
    scf.if %cond3A_6 {
      %get3A_183 = arith.constant 0 : index
      %get3A_184 = arith.constant 0 : index
      %get3A_185 = arith.constant 0 : index
      %get3A_186 = vector.load %arg5[%get3A_183, %get3A_184, %get3A_185] : memref<1x256x512xf32, #tpu.memory_space<vmem>>, vector<1x256x512xf32>
      %swap3A_187 = arith.constant 0 : index
      %swap3A_188 = arith.constant 0 : index
      %swap3A_189 = arith.constant 0 : index
      %swap3A_190 = vector.load %arg6[%swap3A_187, %swap3A_188, %swap3A_189] : memref<1x256x512xf32, #tpu.memory_space<vmem>>, vector<1x256x512xf32>
      tpu.vector_store %arg6[%swap3A_187, %swap3A_188, %swap3A_189], %get3A_186 {strides = array<i32>} : memref<1x256x512xf32, #tpu.memory_space<vmem>>, vector<1x256x512xf32>,
    } else {
    }
    %get3A_7 = arith.constant 0 : index
    %get3A_8 = arith.constant 0 : index
    %get3A_9 = arith.constant 0 : index
    %get3A_10 = vector.load %arg6[%get3A_7, %get3A_8, %get3A_9] : memref<1x256x512xf32, #tpu.memory_space<vmem>>, vector<1x256x512xf32>
    %get3A_11 = vector.shape_cast %get3A_10 : vector<1x256x512xf32> to vector<256x512xf32>
    %iota3A = tpu.iota {dimensions = array<i32: 0>} : vector<256x1xi32>
    %broadcast_in_dim3A = arith.constant 0.000000e+00 : f32
    %broadcast_in_dim3A_12 = vector.broadcast %broadcast_in_dim3A : f32 to vector<256x1xf32>
    %get3A_13 = arith.constant 0 : index
    %get3A_14 = arith.constant 0 : index
    %get3A_15 = arith.constant 0 : index
    %get3A_16 = memref.load %arg3[%get3A_13, %get3A_14, %get3A_15] : memref<1x1x16xi32, #tpu.memory_space<smem>>
    %eq3A_17 = vector.broadcast %get3A_16 : i32 to vector<256x1xi32>
    %eq3A_18 = arith.cmpi eq, %iota3A, %eq3A_17 : vector<256x1xi32>
    %convert_element_type3A_19 = arith.extui %eq3A_18 : vector<256x1xi1> to vector<256x1xi32>
    %convert_element_type3A_20 = arith.sitofp %convert_element_type3A_19 : vector<256x1xi32> to vector<256x1xf32>
    %add3A = arith.addf %broadcast_in_dim3A_12, %convert_element_type3A_20 : vector<256x1xf32>
    %get3A_21 = arith.constant 0 : index
    %get3A_22 = arith.constant 0 : index
    %get3A_23 = arith.constant 1 : index
    %get3A_24 = memref.load %arg3[%get3A_21, %get3A_22, %get3A_23] : memref<1x1x16xi32, #tpu.memory_space<smem>>
    %eq3A_25 = vector.broadcast %get3A_24 : i32 to vector<256x1xi32>
    %eq3A_26 = arith.cmpi eq, %iota3A, %eq3A_25 : vector<256x1xi32>
    %convert_element_type3A_27 = arith.extui %eq3A_26 : vector<256x1xi1> to vector<256x1xi32>
    %convert_element_type3A_28 = arith.sitofp %convert_element_type3A_27 : vector<256x1xi32> to vector<256x1xf32>
    %add3A_29 = arith.addf %add3A, %convert_element_type3A_28 : vector<256x1xf32>
    %get3A_30 = arith.constant 0 : index
    %get3A_31 = arith.constant 0 : index
    %get3A_32 = arith.constant 2 : index
    %get3A_33 = memref.load %arg3[%get3A_30, %get3A_31, %get3A_32] : memref<1x1x16xi32, #tpu.memory_space<smem>>
    %eq3A_34 = vector.broadcast %get3A_33 : i32 to vector<256x1xi32>
    %eq3A_35 = arith.cmpi eq, %iota3A, %eq3A_34 : vector<256x1xi32>
    %convert_element_type3A_36 = arith.extui %eq3A_35 : vector<256x1xi1> to vector<256x1xi32>
    %convert_element_type3A_37 = arith.sitofp %convert_element_type3A_36 : vector<256x1xi32> to vector<256x1xf32>
    %add3A_38 = arith.addf %add3A_29, %convert_element_type3A_37 : vector<256x1xf32>
    %get3A_39 = arith.constant 0 : index
    %get3A_40 = arith.constant 0 : index
    %get3A_41 = arith.constant 3 : index
    %get3A_42 = memref.load %arg3[%get3A_39, %get3A_40, %get3A_41] : memref<1x1x16xi32, #tpu.memory_space<smem>>
    %eq3A_43 = vector.broadcast %get3A_42 : i32 to vector<256x1xi32>
    %eq3A_44 = arith.cmpi eq, %iota3A, %eq3A_43 : vector<256x1xi32>
    %convert_element_type3A_45 = arith.extui %eq3A_44 : vector<256x1xi1> to vector<256x1xi32>
    %convert_element_type3A_46 = arith.sitofp %convert_element_type3A_45 : vector<256x1xi32> to vector<256x1xf32>
    %add3A_47 = arith.addf %add3A_38, %convert_element_type3A_46 : vector<256x1xf32>
    %get3A_48 = arith.constant 0 : index
    %get3A_49 = arith.constant 0 : index
    %get3A_50 = arith.constant 4 : index
    %get3A_51 = memref.load %arg3[%get3A_48, %get3A_49, %get3A_50] : memref<1x1x16xi32, #tpu.memory_space<smem>>
    %eq3A_52 = vector.broadcast %get3A_51 : i32 to vector<256x1xi32>
    %eq3A_53 = arith.cmpi eq, %iota3A, %eq3A_52 : vector<256x1xi32>
    %convert_element_type3A_54 = arith.extui %eq3A_53 : vector<256x1xi1> to vector<256x1xi32>
    %convert_element_type3A_55 = arith.sitofp %convert_element_type3A_54 : vector<256x1xi32> to vector<256x1xf32>
    %add3A_56 = arith.addf %add3A_47, %convert_element_type3A_55 : vector<256x1xf32>
    %get3A_57 = arith.constant 0 : index
    %get3A_58 = arith.constant 0 : index
    %get3A_59 = arith.constant 5 : index
    %get3A_60 = memref.load %arg3[%get3A_57, %get3A_58, %get3A_59] : memref<1x1x16xi32, #tpu.memory_space<smem>>
    %eq3A_61 = vector.broadcast %get3A_60 : i32 to vector<256x1xi32>
    %eq3A_62 = arith.cmpi eq, %iota3A, %eq3A_61 : vector<256x1xi32>
    %convert_element_type3A_63 = arith.extui %eq3A_62 : vector<256x1xi1> to vector<256x1xi32>
    %convert_element_type3A_64 = arith.sitofp %convert_element_type3A_63 : vector<256x1xi32> to vector<256x1xf32>
    %add3A_65 = arith.addf %add3A_56, %convert_element_type3A_64 : vector<256x1xf32>
    %get3A_66 = arith.constant 0 : index
    %get3A_67 = arith.constant 0 : index
    %get3A_68 = arith.constant 6 : index
    %get3A_69 = memref.load %arg3[%get3A_66, %get3A_67, %get3A_68] : memref<1x1x16xi32, #tpu.memory_space<smem>>
    %eq3A_70 = vector.broadcast %get3A_69 : i32 to vector<256x1xi32>
    %eq3A_71 = arith.cmpi eq, %iota3A, %eq3A_70 : vector<256x1xi32>
    %convert_element_type3A_72 = arith.extui %eq3A_71 : vector<256x1xi1> to vector<256x1xi32>
    %convert_element_type3A_73 = arith.sitofp %convert_element_type3A_72 : vector<256x1xi32> to vector<256x1xf32>
    %add3A_74 = arith.addf %add3A_65, %convert_element_type3A_73 : vector<256x1xf32>
    %get3A_75 = arith.constant 0 : index
    %get3A_76 = arith.constant 0 : index
    %get3A_77 = arith.constant 7 : index
    %get3A_78 = memref.load %arg3[%get3A_75, %get3A_76, %get3A_77] : memref<1x1x16xi32, #tpu.memory_space<smem>>
    %eq3A_79 = vector.broadcast %get3A_78 : i32 to vector<256x1xi32>
    %eq3A_80 = arith.cmpi eq, %iota3A, %eq3A_79 : vector<256x1xi32>
    %convert_element_type3A_81 = arith.extui %eq3A_80 : vector<256x1xi1> to vector<256x1xi32>
    %convert_element_type3A_82 = arith.sitofp %convert_element_type3A_81 : vector<256x1xi32> to vector<256x1xf32>
    %add3A_83 = arith.addf %add3A_74, %convert_element_type3A_82 : vector<256x1xf32>
    %get3A_84 = arith.constant 0 : index
    %get3A_85 = arith.constant 0 : index
    %get3A_86 = arith.constant 8 : index
    %get3A_87 = memref.load %arg3[%get3A_84, %get3A_85, %get3A_86] : memref<1x1x16xi32, #tpu.memory_space<smem>>
    %eq3A_88 = vector.broadcast %get3A_87 : i32 to vector<256x1xi32>
    %eq3A_89 = arith.cmpi eq, %iota3A, %eq3A_88 : vector<256x1xi32>
    %convert_element_type3A_90 = arith.extui %eq3A_89 : vector<256x1xi1> to vector<256x1xi32>
    %convert_element_type3A_91 = arith.sitofp %convert_element_type3A_90 : vector<256x1xi32> to vector<256x1xf32>
    %add3A_92 = arith.addf %add3A_83, %convert_element_type3A_91 : vector<256x1xf32>
    %get3A_93 = arith.constant 0 : index
    %get3A_94 = arith.constant 0 : index
    %get3A_95 = arith.constant 9 : index
    %get3A_96 = memref.load %arg3[%get3A_93, %get3A_94, %get3A_95] : memref<1x1x16xi32, #tpu.memory_space<smem>>
    %eq3A_97 = vector.broadcast %get3A_96 : i32 to vector<256x1xi32>
    %eq3A_98 = arith.cmpi eq, %iota3A, %eq3A_97 : vector<256x1xi32>
    %convert_element_type3A_99 = arith.extui %eq3A_98 : vector<256x1xi1> to vector<256x1xi32>
    %convert_element_type3A_100 = arith.sitofp %convert_element_type3A_99 : vector<256x1xi32> to vector<256x1xf32>
    %add3A_101 = arith.addf %add3A_92, %convert_element_type3A_100 : vector<256x1xf32>
    %get3A_102 = arith.constant 0 : index
    %get3A_103 = arith.constant 0 : index
    %get3A_104 = arith.constant 10 : index
    %get3A_105 = memref.load %arg3[%get3A_102, %get3A_103, %get3A_104] : memref<1x1x16xi32, #tpu.memory_space<smem>>
    %eq3A_106 = vector.broadcast %get3A_105 : i32 to vector<256x1xi32>
    %eq3A_107 = arith.cmpi eq, %iota3A, %eq3A_106 : vector<256x1xi32>
    %convert_element_type3A_108 = arith.extui %eq3A_107 : vector<256x1xi1> to vector<256x1xi32>
    %convert_element_type3A_109 = arith.sitofp %convert_element_type3A_108 : vector<256x1xi32> to vector<256x1xf32>
    %add3A_110 = arith.addf %add3A_101, %convert_element_type3A_109 : vector<256x1xf32>
    %get3A_111 = arith.constant 0 : index
    %get3A_112 = arith.constant 0 : index
    %get3A_113 = arith.constant 11 : index
    %get3A_114 = memref.load %arg3[%get3A_111, %get3A_112, %get3A_113] : memref<1x1x16xi32, #tpu.memory_space<smem>>
    %eq3A_115 = vector.broadcast %get3A_114 : i32 to vector<256x1xi32>
    %eq3A_116 = arith.cmpi eq, %iota3A, %eq3A_115 : vector<256x1xi32>
    %convert_element_type3A_117 = arith.extui %eq3A_116 : vector<256x1xi1> to vector<256x1xi32>
    %convert_element_type3A_118 = arith.sitofp %convert_element_type3A_117 : vector<256x1xi32> to vector<256x1xf32>
    %add3A_119 = arith.addf %add3A_110, %convert_element_type3A_118 : vector<256x1xf32>
    %get3A_120 = arith.constant 0 : index
    %get3A_121 = arith.constant 0 : index
    %get3A_122 = arith.constant 12 : index
    %get3A_123 = memref.load %arg3[%get3A_120, %get3A_121, %get3A_122] : memref<1x1x16xi32, #tpu.memory_space<smem>>
    %eq3A_124 = vector.broadcast %get3A_123 : i32 to vector<256x1xi32>
    %eq3A_125 = arith.cmpi eq, %iota3A, %eq3A_124 : vector<256x1xi32>
    %convert_element_type3A_126 = arith.extui %eq3A_125 : vector<256x1xi1> to vector<256x1xi32>
    %convert_element_type3A_127 = arith.sitofp %convert_element_type3A_126 : vector<256x1xi32> to vector<256x1xf32>
    %add3A_128 = arith.addf %add3A_119, %convert_element_type3A_127 : vector<256x1xf32>
    %get3A_129 = arith.constant 0 : index
    %get3A_130 = arith.constant 0 : index
    %get3A_131 = arith.constant 13 : index
    %get3A_132 = memref.load %arg3[%get3A_129, %get3A_130, %get3A_131] : memref<1x1x16xi32, #tpu.memory_space<smem>>
    %eq3A_133 = vector.broadcast %get3A_132 : i32 to vector<256x1xi32>
    %eq3A_134 = arith.cmpi eq, %iota3A, %eq3A_133 : vector<256x1xi32>
    %convert_element_type3A_135 = arith.extui %eq3A_134 : vector<256x1xi1> to vector<256x1xi32>
    %convert_element_type3A_136 = arith.sitofp %convert_element_type3A_135 : vector<256x1xi32> to vector<256x1xf32>
    %add3A_137 = arith.addf %add3A_128, %convert_element_type3A_136 : vector<256x1xf32>
    %get3A_138 = arith.constant 0 : index
    %get3A_139 = arith.constant 0 : index
    %get3A_140 = arith.constant 14 : index
    %get3A_141 = memref.load %arg3[%get3A_138, %get3A_139, %get3A_140] : memref<1x1x16xi32, #tpu.memory_space<smem>>
    %eq3A_142 = vector.broadcast %get3A_141 : i32 to vector<256x1xi32>
    %eq3A_143 = arith.cmpi eq, %iota3A, %eq3A_142 : vector<256x1xi32>
    %convert_element_type3A_144 = arith.extui %eq3A_143 : vector<256x1xi1> to vector<256x1xi32>
    %convert_element_type3A_145 = arith.sitofp %convert_element_type3A_144 : vector<256x1xi32> to vector<256x1xf32>
    %add3A_146 = arith.addf %add3A_137, %convert_element_type3A_145 : vector<256x1xf32>
    %get3A_147 = arith.constant 0 : index
    %get3A_148 = arith.constant 0 : index
    %get3A_149 = arith.constant 15 : index
    %get3A_150 = memref.load %arg3[%get3A_147, %get3A_148, %get3A_149] : memref<1x1x16xi32, #tpu.memory_space<smem>>
    %eq3A_151 = vector.broadcast %get3A_150 : i32 to vector<256x1xi32>
    %eq3A_152 = arith.cmpi eq, %iota3A, %eq3A_151 : vector<256x1xi32>
    %convert_element_type3A_153 = arith.extui %eq3A_152 : vector<256x1xi1> to vector<256x1xi32>
    %convert_element_type3A_154 = arith.sitofp %convert_element_type3A_153 : vector<256x1xi32> to vector<256x1xf32>
    %add3A_155 = arith.addf %add3A_146, %convert_element_type3A_154 : vector<256x1xf32>
    %get3A_156 = arith.constant 0 : index
    %get3A_157 = arith.constant 0 : index
    %get3A_158 = arith.constant 0 : index
    %get3A_159 = vector.load %arg4[%get3A_156, %get3A_157, %get3A_158] : memref<1x1x512xf32, #tpu.memory_space<vmem>>, vector<1x1x512xf32>
    %get3A_160 = vector.shape_cast %get3A_159 : vector<1x1x512xf32> to vector<1x512xf32>
    %mul3A = arith.constant 9.950000e-01 : f32
    %mul3A_161 = vector.broadcast %mul3A : f32 to vector<256x512xf32>
    %mul3A_162 = arith.mulf %get3A_11, %mul3A_161 : vector<256x512xf32>
    %mul3A_163 = vector.broadcast %add3A_155 : vector<256x1xf32> to vector<256x512xf32>
    %mul3A_164 = vector.broadcast %get3A_160 : vector<1x512xf32> to vector<256x512xf32>
    %mul3A_165 = arith.mulf %mul3A_163, %mul3A_164 : vector<256x512xf32>
    %add3A_166 = arith.addf %mul3A_162, %mul3A_165 : vector<256x512xf32>
    %mul3A_167 = arith.mulf %add3A_166, %add3A_166 : vector<256x512xf32>
    %reduce_sum3A = arith.constant dense<0.000000e+00> : vector<256xf32>
    %reduce_sum3A_168 = vector.multi_reduction <add>, %mul3A_167, %reduce_sum3A [1] : vector<256x512xf32> to vector<256xf32>
    %broadcast_in_dim3A_169 = vector.shape_cast %reduce_sum3A_168 : vector<256xf32> to vector<256x1xf32>
    %sqrt3A = math.sqrt %broadcast_in_dim3A_169 : vector<256x1xf32>
    %gt3A = arith.constant 5.000000e-01 : f32
    %gt3A_170 = vector.broadcast %gt3A : f32 to vector<256x1xf32>
    %gt3A_171 = arith.cmpf ogt, %add3A_155, %gt3A_170 : vector<256x1xf32>
    %add3A_172 = arith.constant 9.99999993E-9 : f32
    %add3A_173 = vector.broadcast %add3A_172 : f32 to vector<256x1xf32>
    %add3A_174 = arith.addf %sqrt3A, %add3A_173 : vector<256x1xf32>
    %div3A = vector.broadcast %add3A_174 : vector<256x1xf32> to vector<256x512xf32>
    %div3A_175 = arith.divf %add3A_166, %div3A : vector<256x512xf32>
    %broadcast_in_dim3A_176 = vector.shape_cast %gt3A_171 : vector<256x1xi1> to vector<256x1xi1>
    %broadcast_in_dim3A_177 = vector.broadcast %broadcast_in_dim3A_176 : vector<256x1xi1> to vector<256x512xi1>
    %select_n3A = arith.select %broadcast_in_dim3A_177, %div3A_175, %add3A_166 : vector<256x512xi1>, vector<256x512xf32>
    %swap3A = arith.constant 0 : index
    %swap3A_178 = arith.constant 0 : index
    %swap3A_179 = arith.constant 0 : index
    %swap3A_180 = vector.load %arg6[%swap3A, %swap3A_178, %swap3A_179] : memref<1x256x512xf32, #tpu.memory_space<vmem>>, vector<1x256x512xf32>
    %swap3A_181 = vector.shape_cast %swap3A_180 : vector<1x256x512xf32> to vector<256x512xf32>
    %swap3A_182 = vector.shape_cast %select_n3A : vector<256x512xf32> to vector<1x256x512xf32>
    tpu.vector_store %arg6[%swap3A, %swap3A_178, %swap3A_179], %swap3A_182 {strides = array<i32>} : memref<1x256x512xf32, #tpu.memory_space<vmem>>, vector<1x256x512xf32>,
    return
  }
  func.func @transform_0(%arg0: i32, %arg1: memref<1024xi32, #tpu.memory_space<smem>>, %arg2: memref<1024xi32, #tpu.memory_space<smem>>) -> (i32, i32, i32) {
    %get3A = arith.index_cast %arg0 : i32 to index
    %get3A_0 = memref.load %arg1[%get3A] : memref<1024xi32, #tpu.memory_space<smem>>
    %c0_i32 = arith.constant 0 : i32
    %c0_i32_1 = arith.constant 0 : i32
    %c0_i32_2 = arith.constant 0 : i32
    return %get3A_0, %c0_i32, %c0_i32_1 : i32, i32, i32
  }
  func.func @transform_1(%arg0: i32, %arg1: memref<1024xi32, #tpu.memory_space<smem>>, %arg2: memref<1024xi32, #tpu.memory_space<smem>>) -> (i32, i32, i32) {
    %get3A = arith.index_cast %arg0 : i32 to index
    %get3A_0 = memref.load %arg1[%get3A] : memref<1024xi32, #tpu.memory_space<smem>>
    %c0_i32 = arith.constant 0 : i32
    %c0_i32_1 = arith.constant 0 : i32
    %c0_i32_2 = arith.constant 0 : i32
    return %get3A_0, %c0_i32, %c0_i32_1 : i32, i32, i32
  }
  func.func @transform_2(%arg0: i32, %arg1: memref<1024xi32, #tpu.memory_space<smem>>, %arg2: memref<1024xi32, #tpu.memory_space<smem>>) -> (i32, i32, i32) {
    %get3A = arith.index_cast %arg0 : i32 to index
    %get3A_0 = memref.load %arg2[%get3A] : memref<1024xi32, #tpu.memory_space<smem>>
    %c0_i32 = arith.constant 0 : i32
    %c0_i32_1 = arith.constant 0 : i32
    %c0_i32_2 = arith.constant 0 : i32
    return %get3A_0, %c0_i32, %c0_i32_1 : i32, i32, i32
  }
  func.func @transform_3(%arg0: i32, %arg1: memref<1024xi32, #tpu.memory_space<smem>>, %arg2: memref<1024xi32, #tpu.memory_space<smem>>) -> (i32, i32, i32) {
    %get3A = arith.index_cast %arg0 : i32 to index
    %get3A_0 = memref.load %arg2[%get3A] : memref<1024xi32, #tpu.memory_space<smem>>
    %c0_i32 = arith.constant 0 : i32
    %c0_i32_1 = arith.constant 0 : i32
    %c0_i32_2 = arith.constant 0 : i32
    return %get3A_0, %c0_i32, %c0_i32_1 : i32, i32, i32
  }
}

module attributes {stable_mosaic.version = 14 : i64} {
  func.func @_k4_body(%arg0: i32, %arg1: memref<128x512xf32, #tpu.memory_space<vmem>>, %arg2: memref<128x512xf32, #tpu.memory_space<vmem>>, %arg3: memref<128x512xf32, #tpu.memory_space<vmem>>, %arg4: memref<512x512xf32, #tpu.memory_space<vmem>>, %arg5: memref<512x512xf32, #tpu.memory_space<vmem>>, %arg6: memref<128x512xf32, #tpu.memory_space<vmem>>) attributes {dimension_semantics = [#tpu.dimension_semantics<arbitrary>], iteration_bounds = array<i64: 8>, scalar_prefetch = 0 : i64, scratch_operands = 0 : i64, tpu.core_type = #tpu.core_type<tc>, window_params = [{transform_indices = @transform_0, window_bounds = array<i64: 128, 512>}, {transform_indices = @transform_1, window_bounds = array<i64: 128, 512>}, {transform_indices = @transform_2, window_bounds = array<i64: 128, 512>}, {pipeline_mode = #tpu.pipeline_mode<synchronous>, transform_indices = @transform_3, window_bounds = array<i64: 512, 512>}, {pipeline_mode = #tpu.pipeline_mode<synchronous>, transform_indices = @transform_4, window_bounds = array<i64: 512, 512>}, {transform_indices = @transform_5, window_bounds = array<i64: 128, 512>}]} {
    %get3A = arith.constant 0 : index
    %get3A_0 = arith.constant 0 : index
    %get3A_1 = vector.load %arg4[%get3A, %get3A_0] : memref<512x512xf32, #tpu.memory_space<vmem>>, vector<512x512xf32>
    %get3A_2 = arith.constant 0 : index
    %get3A_3 = arith.constant 0 : index
    %get3A_4 = vector.load %arg5[%get3A_2, %get3A_3] : memref<512x512xf32, #tpu.memory_space<vmem>>, vector<512x512xf32>
    %get3A_5 = arith.constant 0 : index
    %get3A_6 = arith.constant 0 : index
    %get3A_7 = vector.load %arg1[%get3A_5, %get3A_6] : memref<128x512xf32, #tpu.memory_space<vmem>>, vector<128x512xf32>
    %dot_general3A = arith.constant dense<0.000000e+00> : vector<128x512xf32>
    %dot_general3A_8 = tpu.matmul %get3A_7, %get3A_1, %dot_general3A {dimension_numbers = #tpu.dot_dimension_numbers<[1], [0], [0], [1], [0, 0, 1, 1], [], []>, precision = #tpu.contract_precision<fp32>, transpose_lhs_hint = false} : vector<128x512xf32>, vector<512x512xf32>, vector<128x512xf32> -> vector<128x512xf32>
    %dot_general3A_9 = arith.constant dense<0.000000e+00> : vector<128x512xf32>
    %dot_general3A_10 = tpu.matmul %get3A_7, %get3A_4, %dot_general3A_9 {dimension_numbers = #tpu.dot_dimension_numbers<[1], [0], [0], [1], [0, 0, 1, 1], [], []>, precision = #tpu.contract_precision<fp32>, transpose_lhs_hint = false} : vector<128x512xf32>, vector<512x512xf32>, vector<128x512xf32> -> vector<128x512xf32>
    %get3A_11 = arith.constant 0 : index
    %get3A_12 = arith.constant 0 : index
    %get3A_13 = vector.load %arg2[%get3A_11, %get3A_12] : memref<128x512xf32, #tpu.memory_space<vmem>>, vector<128x512xf32>
    %get3A_14 = arith.constant 0 : index
    %get3A_15 = arith.constant 0 : index
    %get3A_16 = vector.load %arg3[%get3A_14, %get3A_15] : memref<128x512xf32, #tpu.memory_space<vmem>>, vector<128x512xf32>
    %mul3A = arith.mulf %get3A_13, %get3A_13 : vector<128x512xf32>
    %mul3A_17 = arith.mulf %get3A_16, %get3A_16 : vector<128x512xf32>
    %add3A = arith.addf %mul3A, %mul3A_17 : vector<128x512xf32>
    %add3A_18 = arith.constant 9.99999993E-9 : f32
    %add3A_19 = vector.broadcast %add3A_18 : f32 to vector<128x512xf32>
    %add3A_20 = arith.addf %add3A, %add3A_19 : vector<128x512xf32>
    %mul3A_21 = arith.mulf %dot_general3A_8, %get3A_13 : vector<128x512xf32>
    %mul3A_22 = arith.mulf %dot_general3A_10, %get3A_16 : vector<128x512xf32>
    %add3A_23 = arith.addf %mul3A_21, %mul3A_22 : vector<128x512xf32>
    %div3A = arith.divf %add3A_23, %add3A_20 : vector<128x512xf32>
    %mul3A_24 = arith.mulf %dot_general3A_8, %get3A_16 : vector<128x512xf32>
    %mul3A_25 = arith.mulf %dot_general3A_10, %get3A_13 : vector<128x512xf32>
    %sub3A = arith.subf %mul3A_24, %mul3A_25 : vector<128x512xf32>
    %div3A_26 = arith.divf %sub3A, %add3A_20 : vector<128x512xf32>
    %dot_general3A_27 = arith.constant dense<0.000000e+00> : vector<128x512xf32>
    %dot_general3A_28 = tpu.matmul %div3A, %get3A_1, %dot_general3A_27 {dimension_numbers = #tpu.dot_dimension_numbers<[1], [0], [0], [1], [0, 0, 1, 1], [], []>, precision = #tpu.contract_precision<fp32>, transpose_lhs_hint = false} : vector<128x512xf32>, vector<512x512xf32>, vector<128x512xf32> -> vector<128x512xf32>
    %dot_general3A_29 = arith.constant dense<0.000000e+00> : vector<128x512xf32>
    %dot_general3A_30 = tpu.matmul %div3A_26, %get3A_4, %dot_general3A_29 {dimension_numbers = #tpu.dot_dimension_numbers<[1], [0], [0], [1], [0, 0, 1, 1], [], []>, precision = #tpu.contract_precision<fp32>, transpose_lhs_hint = false} : vector<128x512xf32>, vector<512x512xf32>, vector<128x512xf32> -> vector<128x512xf32>
    %sub3A_31 = arith.subf %dot_general3A_28, %dot_general3A_30 : vector<128x512xf32>
    %mul3A_32 = arith.constant 0.001953125 : f32
    %mul3A_33 = vector.broadcast %mul3A_32 : f32 to vector<128x512xf32>
    %mul3A_34 = arith.mulf %sub3A_31, %mul3A_33 : vector<128x512xf32>
    %mul3A_35 = arith.mulf %mul3A_34, %mul3A_34 : vector<128x512xf32>
    %reduce_sum3A = arith.constant dense<0.000000e+00> : vector<128xf32>
    %reduce_sum3A_36 = vector.multi_reduction <add>, %mul3A_35, %reduce_sum3A [1] : vector<128x512xf32> to vector<128xf32>
    %broadcast_in_dim3A = vector.shape_cast %reduce_sum3A_36 : vector<128xf32> to vector<128x1xf32>
    %sqrt3A = math.sqrt %broadcast_in_dim3A : vector<128x1xf32>
    %add3A_37 = arith.constant 9.99999993E-9 : f32
    %add3A_38 = vector.broadcast %add3A_37 : f32 to vector<128x1xf32>
    %add3A_39 = arith.addf %sqrt3A, %add3A_38 : vector<128x1xf32>
    %div3A_40 = vector.broadcast %add3A_39 : vector<128x1xf32> to vector<128x512xf32>
    %div3A_41 = arith.divf %mul3A_34, %div3A_40 : vector<128x512xf32>
    %swap3A = arith.constant 0 : index
    %swap3A_42 = arith.constant 0 : index
    %swap3A_43 = vector.load %arg6[%swap3A, %swap3A_42] : memref<128x512xf32, #tpu.memory_space<vmem>>, vector<128x512xf32>
    tpu.vector_store %arg6[%swap3A, %swap3A_42], %div3A_41 {strides = array<i32>} : memref<128x512xf32, #tpu.memory_space<vmem>>, vector<128x512xf32>,
    return
  }
  func.func @transform_0(%arg0: i32) -> (i32, i32) {
    %c0_i32 = arith.constant 0 : i32
    %c0_i32_0 = arith.constant 0 : i32
    return %arg0, %c0_i32 : i32, i32
  }
  func.func @transform_1(%arg0: i32) -> (i32, i32) {
    %c0_i32 = arith.constant 0 : i32
    %c0_i32_0 = arith.constant 0 : i32
    return %arg0, %c0_i32 : i32, i32
  }
  func.func @transform_2(%arg0: i32) -> (i32, i32) {
    %c0_i32 = arith.constant 0 : i32
    %c0_i32_0 = arith.constant 0 : i32
    return %arg0, %c0_i32 : i32, i32
  }
  func.func @transform_3(%arg0: i32) -> (i32, i32) {
    %c0_i32 = arith.constant 0 : i32
    %c0_i32_0 = arith.constant 0 : i32
    %c0_i32_1 = arith.constant 0 : i32
    return %c0_i32, %c0_i32_0 : i32, i32
  }
  func.func @transform_4(%arg0: i32) -> (i32, i32) {
    %c0_i32 = arith.constant 0 : i32
    %c0_i32_0 = arith.constant 0 : i32
    %c0_i32_1 = arith.constant 0 : i32
    return %c0_i32, %c0_i32_0 : i32, i32
  }
  func.func @transform_5(%arg0: i32) -> (i32, i32) {
    %c0_i32 = arith.constant 0 : i32
    %c0_i32_0 = arith.constant 0 : i32
    return %arg0, %c0_i32 : i32, i32
  }
}

</mosaic_0001>

<sc_bundles>
// kernel: sparse-core-data-format-call.1.cloned.1.call-start
scs
called_computation.1_lowered:
.L_overlay_start_0:
0x0: {  	s2 =	sld [smem:$0x3FD9]  }
0x1: {  	s3 =	sld [smem:$0x3FFE];
	_ =	sdelay $0x1  }
0x2: {  	s1 =	srdreg.scid  }
0x3: {  	s0 =	sand.u32 $0x1, s1  }
0x4: {  	s18 =	sshll.u32 s0, $0xA;
	s2 =	sadd.s32 s3, s2  }
0x5: {  	s2 =	sadd.s32 s2, s18  }
0x6: {  	[smem:$0x3FC3] =	sst s2  }
0x7: {  	_ = 	snop  }
0x8: {  	s2 =	sld [smem:$0x3FC7];
	(tm) =	ssettm $0x1  }
0x9: {  	s19 =	sld [smem:$0x3FFB];
	_ =	sdelay $0x3  }
0xa: {  	_ =	strace s19  }
0xb: {  	s3 =	sld [smem:$0x3FFC];
	_ =	sdelay $0x3  }
0xc: {  	_ =	strace s3  }
0xd: {  	s3 =	sld [smem:$0x3FFD];
	_ =	sdelay $0x3  }
0xe: {  	_ =	strace s3  }
0xf: {  	_ =	strace $0x8FFFFFFF  }
0x10: {  	s20 =	sld [smem:$0x3FDB];
	_ =	sdelay $0x1  }
0x11: {  	s4 =	simm.s32 $_scs_section_size  }
0x12: {  	s5 =	simm.s32 $_size__tile_overlayer_lowered;
	s6 =	simm.s32 $_tile_overlayer_lowered  }
0x13: {  	s23 =	simm.s32 $0x1BFF;
	s22 =	sshll.u32 s6, $0x1;
	s3 =	sadd.s32 s4, s20  }
0x14: {  	s7 =	simm.s32 $0x0;
	s21 =	sshll.u32 s5, $0x1;
	s5 =	sadd.s32 s22, s3  }
0x15: {  	[timem:s7], [sflag:s23] =	dma.local [hbm:s5], s21  }
0x16: {  	_ =	swait.ge [sflag:s23], s21  }
0x17: {  	s4 =	ssub.s32 $0x0, s21;
	[sflag:s23] =	ssyncset.done $0x0  }
0x18: {  	[sflag:s23] =	ssyncadd.s32 s4;
	_ =	sdelay $0x1  }
0x19: {  	s24 =	simm.s32 $0x1B8B  }
0x1a: {  	_ =	swait.ge [sflag:s24], $0x1  }
0x1b: {  	[sflag:s24] =	ssyncset.done $0x0  }
0x1c: {  	s26 =	simm.s32 $0x1B8E;
	s25 =	sld [smem:$0x3FFE];
	[sflag:s24] =	ssyncadd.s32 $0xFFFFFFFF  }
0x1d: {  	s27 =	simm.s32 $execute0_lowered;
	[smem:$0x3FD2] =	sst s26  }
0x1e: {  	s5 =	sshll.u32 s27, $0x1;
	_ =	strace $0x80000046;
	[dreg:$0x1] =	wrdreg $0xFFFFFFFF  }
0x1f: {  	s28 =	simm.s32 $_size_execute0_lowered;
	s3 =	sadd.s32 s3, s5;
	[dreg:$0x0] =	wrdreg $0x0  }
0x20: {  	s5 =	sshll.u32 s28, $0x1;
	[dreg:$0x2] =	wrdreg s3  }
0x21: {  	[dreg:$0x3] =	wrdreg s5  }
0x22: {  	[dreg:$0x4] =	wrdreg $0xC0  }
0x23: {  	_ =	task [dreg:s7], $0x5FFFF  }
0x24: {  	[dreg:$0x1] =	wrdreg $0xFFFFFFFF  }
0x25: {  	[dreg:$0x0] =	wrdreg $0x60  }
0x26: {  	[dreg:$0x2] =	wrdreg s2  }
0x27: {  	[dreg:$0x3] =	wrdreg s25  }
0x28: {  	[dreg:$0x4] =	wrdreg $0xA  }
0x29: {  	_ =	task.clear_ibuf [dreg:s7], $0x5FFFF;
	_ =	strace $0x90000046  }
0x2a: {  	s29 =	simm.s32 $0xA;
	_ =	strace $0x80000048  }
0x2b: {  	_ =	swait.ge [sflag:s29], $0x1  }
0x2c: {  	[sflag:s29] =	ssyncadd.s32 $0xFFFFFFFF  }
0x2d: {  	_ =	strace $0x90000048  }
0x2e: {  	_ =	sfence  }
0x2f: {  	s30 =	sld [smem:$0x0];
	_ =	sdelay $0x2  }
0x30: {  	s31 =	sshll.u32 s1, $0xD;
	s1 =	sshrl.u32 s1, $0x2  }
0x31: {  	s3 =	sand.u32 $0x4000, s31;
	s1 =	sadd.s32 s1, s30  }
0x32: {  	s0 =	sor.u32 s3, s0;
	s1 =	sshll.u32 s1, $0x11  }
0x33: {  	s0 =	sor.u32 s1, s0  }
0x34: {  	s0 =	sadd.s32 $0x8F2B, s0  }
0x35: {  	[sflag:s0] =	ssyncadd.remote.s32 $0x1  }
0x36: {  	_ =	sfence.sel $0xFFFF  }
0x37: {  	[dreg:$0x0] =	wrdreg $0xFFFFFFFF;
	(pc) =	sbr.abs _section_cstart, $3  }
0x38: {  	[dreg:$0x1] =	wrdreg $0xFFFFFFFF  }
0x39: {  	_ =	task.clear_ibuf [dreg:s7], $0x2FFFF;
	_ =	strace $0x9FFFFFFF  }
0x3a: {  	(tm) =	ssettm $0x7FFFFFFF  }
0x3b: {  	_ =	shalt  }
tec
execute0_lowered:
.L_overlay_start_1:
0x0: {  	(tag) =	ssettag $0x1  }
0x1: {  	s2 =	rddreg [dreg:$0x0]  }
0x2: {  	s4 =	rddreg [dreg:$0x1]  }
0x3: {  	s0 =	stileid.u32;
	s1 =	rddreg [dreg:$0x2]  }
0x4: {  	s5 =	srdreg.scid;
	_ =	strace $0x80000047;
	s31 =	simm.s32 $0x2  }
0x5: {  	s16 =	simm.s32 $0x0;
	p0 =	por $0x0, $0x0;
	s9 =	simm.s32 $0x800  }
0x6: {  	s15 =	simm.s32 $0x0;
	s14 =	simm.s32 $0x0;
	s3 =	sshll.u32 s0, $0x7  }
0x7: {  	s10 =	simm.s32 $0x0;
	s13 =	simm.s32 $0x0;
	s3 =	sand.u32 $0x80, s3  }
0x8: {  	s5 =	sshll.u32 s5, $0x4;
	s4 =	sadd.s32 $0x1800, s4;
	s6 =	ssub.s32 $0x100, s3  }
.Ltmp0:
0x9: {  	s5 =	sand.u32 $0x10, s5;
	s7 =	sshrl.u32 s6, $0x7;
	(pc) =	sbr.rel .LBB1_1-.Ltmp0, $4  }
0xa: {  	s5 =	sor.u32 s0, s5;
	s8 =	sshrl.u32 s6, $0x8;
	s7 =	sand.u32 $0x1, s7  }
0xb: {  	s12 =	smov.u32 s3;
	s6 =	simm.s32 $0x1;
	s7 =	sadd.s32 s8, s7  }
0xc: {  	s5 =	sshrl.u32 s5, $0x1;
	[sflag:s6] =	ssyncpa.u1 $0x0;
	s7 =	sshll.u32 s7, $0x4  }
0xd: {  	s11 =	smov.u32 s5;
	[sflag:s31] =	ssyncpa.u1 $0x0;
	s8 =	sor.u32 $0x1, s7  }
.LBB1_4:
0xe: {  	v5 =	vld [tilespmem:s19+$0xFFFFFFD0];
	[tilespmem:s20+$0x2040 ss:$0x81] =	vst.msk $0xffff, v1  }
0xf: {  	v58 =	vld [tilespmem:s19+$0xFFFFFFE0];
	[tilespmem:s20+$0x2850 ss:$0x81] =	vst.msk $0xffff, v2  }
0x10: {  	s21 =	sshra.s32 s21, $0x2;
	v59 =	vld [tilespmem:s19+$0xFFFFFFF0];
	[tilespmem:s20+$0x3060 ss:$0x81] =	vst.msk $0xffff, v3  }
0x11: {  	v60 =	vld [tilespmem:s19+$0x0];
	[tilespmem:s20+$0x0 ss:$0x81] =	vst.msk $0xffff, v0;
	s18 =	sadd.s32 s21, s18  }
0x12: {  	v61 =	vld [tilespmem:s19+$0x10];
	s25 =	sshll.u32 s16, $0x8;
	[tilespmem:s18+$0x3870 ss:$0x81] =	vst.msk $0xffff, v4  }
0x13: {  	s26 =	sshll.u32 s14, $0x3;
	v62 =	vld [tilespmem:s19+$0x20];
	s27 =	sshll.u32 s16, $0x7;
	s30 =	sand.u32 $0x78, s14;
	[tilespmem:s18+$0x810 ss:$0x81] =	vst.msk $0xffff, v5  }
0x14: {  	v63 =	vld [tilespmem:s19+$0xFFFFFFC0];
	s15 =	sshll.u32 s15, $0xE;
	s20 =	sand.u32 $0x1F800, s25;
	s21 =	sand.u32 $0x1FC00, s26;
	[tilespmem:s18+$0x1020 ss:$0x81] =	vst.msk $0xffff, v58  }
0x15: {  	s29 =	sand.u32 $0x300, s27;
	s16 =	sand.u32 $0x80, s27;
	s28 =	sadd.s32 s21, s20;
	[tilespmem:s18+$0x1830 ss:$0x81] =	vst.msk $0xffff, v59  }
0x16: {  	s31 =	sand.u32 $0x7, s14;
	s16 =	sor.u32 s30, s16;
	s19 =	sor.u32 s29, s28;
	[tilespmem:s18+$0x2040 ss:$0x81] =	vst.msk $0xffff, v60  }
0x17: {  	s15 =	sadd.s32 s4, s15;
	s16 =	sshrl.u32 s16, $0x3;
	s19 =	sshrl.u32 s19, $0x3;
	[tilespmem:s18+$0x2850 ss:$0x81] =	vst.msk $0xffff, v61  }
0x18: {  	s14 =	sshll.u32 s31, $0x12;
	s15 =	sadd.s32 s16, s15;
	[tilespmem:s18+$0x3060 ss:$0x81] =	vst.msk $0xffff, v62;
	s19 =	sand.u32 $0x3FE0, s19  }
0x19: {  	s14 =	sor.u32 $0x400, s14;
	[tilespmem:s18+$0x0 ss:$0x81] =	vst.msk $0xffff, v63;
	s15 =	sadd.s32 s19, s15  }
0x1a: {  	[hbm4b:s15+s14] =	stream.strided.scatter [tilespmem:s17], [sflag:$0x2], $0x4000, s9, s14, $0x20;
	[tilespmem:$0x10100] =	vst v63  }
.LBB1_5:
0x1b: {  	s17 =	sadd.s32 $0x80, s10  }
0x1c: {  	s14 =	sadd.s32 $0x10, s11;
	s18 =	smov.u32 s11;
	p2 =	sgt.s32 s17, $0x1FF  }
0x1d: {  	s18 =	smov.u32 @p2 s14  }
0x1e: {  	s20 =	smov.u32 s12;
	s14 =	sadd.s32 $0x100, s12;
	p3 =	sgt.s32 s18, $0x3F  }
0x1f: {  	s20 =	smov.u32 @p3 s14  }
0x20: {  	s17 =	simm.s32 @p2 $0x0;
	p2 =	sgt.s32 s20, $0xFF  }
0x21: {  	p1 =	slt.u32 s13, $0x2;
	s20 =	smov.u32 @p2 s3;
	p2 =	sne.s32 s13, s8  }
.Ltmp1:
0x22: {  	s19 =	simm.s32 @!p1 $0x2;
	(pc) =	sbr.rel @!p2 .LBB1_6-.Ltmp1, $4  }
0x23: {  	s16 =	smov.u32 s10;
	s15 =	smov.u32 s11;
	_ =	swait.ge @!p1 [sflag:s19], $0x4000  }
0x24: {  	p0 =	por !p0, !p0;
	[sflag:s19] =	ssyncset.done @!p1 $0x0;
	s10 =	smov.u32 s17  }
0x25: {  	s18 =	smov.u32 @p3 s5;
	s14 =	smov.u32 s12;
	[sflag:s19] =	ssyncadd.s32 @!p1 $0xFFFFC000  }
0x26: {  	s11 =	smov.u32 s18;
	s13 =	sadd.s32 $0x1, s13;
	s12 =	smov.u32 s20  }
.LBB1_1:
0x27: {  	p1 =	sge.u32 s13, s7  }
0x28: {  	s31 =	sadd.s32 $0xFFFFFFFF, s13;
	s17 =	sxor.u32 @!p1 $0xFFFFFFFF, s13  }
0x29: {  	s18 =	sshll.u32 @!p1 s11, $0x9;
	s19 =	sshll.u32 @!p1 s10, $0x3;
	s20 =	sshll.u32 @!p1 s11, $0x7  }
0x2a: {  	s21 =	sand.u32 @!p1 $0x78, s10;
	s18 =	sand.u32 @!p1 $0x7000, s18;
	s19 =	sand.u32 @!p1 $0x7C00, s19  }
0x2b: {  	s17 =	sshll.u32 @!p1 s17, $0xE;
	s18 =	sadd.s32 @!p1 s18, s19;
	s19 =	sand.u32 @!p1 $0x200, s20  }
0x2c: {  	s17 =	sand.u32 @!p1 $0x4000, s17;
	s18 =	sor.u32 @!p1 s19, s18;
	s19 =	sand.u32 @!p1 $0x180, s20  }
0x2d: {  	s20 =	sshll.u32 @!p1 s12, $0xC;
	s19 =	sor.u32 @!p1 s21, s19;
	s18 =	sshrl.u32 @!p1 s18, $0x3  }
0x2e: {  	s20 =	sadd.s32 @!p1 s2, s20;
	s21 =	sand.u32 @!p1 $0x7, s10;
	s19 =	sshrl.u32 @!p1 s19, $0x3  }
0x2f: {  	s18 =	sand.u32 @!p1 $0xFC0, s18;
	s19 =	sadd.s32 @!p1 s19, s20;
	s20 =	sshll.u32 @!p1 s21, $0x12  }
0x30: {  	s18 =	sadd.s32 @!p1 s18, s19;
	s19 =	sor.u32 @!p1 $0x80, s20;
	s20 =	simm.s32 @!p1 $0x8000  }
0x31: {  	[tilespmem:s17], [sflag:$0x1] =	stream.strided.gather @!p1 [hbm4b:s18+s19], $0x4000, s20, s19, $0x38;
	[tilespmem:$0x10100] =	vst v63  }
0x32: {  	p1 =	sge.u32 s31, s7  }
.Ltmp2:
0x33: {  	_ = 	snop;
	(pc) =	sbr.rel @p1 .LBB1_5-.Ltmp2, $1  }
0x34: {  	_ =	sdelay $0x3  }
0x35: {  	s17 =	simm.s32 $0x1  }
0x36: {  	_ =	swait.ge [sflag:s6], $0x4000;
	s17 =	simm.s32 @!p0 $0x0  }
0x37: {  	[sflag:s6] =	ssyncset.done $0x0;
	s18 =	sshll.u32 s17, $0xE  }
0x38: {  	[sflag:s6] =	ssyncadd.s32 $0xFFFFC000;
	s19 =	sor.u32 $0x40, s18  }
0x39: {  	s17 =	smul.u32 $0x10200, s17;
	v0 =	vld [tilespmem:s19+$0x30]  }
0x3a: {  	v3 =	vld [tilespmem:s19+$0xFFFFFFD0]  }
0x3b: {  	s17 =	sshrl.u32 s17, $0x2;
	v4 =	vld [tilespmem:s19+$0xFFFFFFE0]  }
0x3c: {  	v5 =	vld [tilespmem:s19+$0xFFFFFFF0];
	s18 =	sor.u32 $0x8000, s17  }
0x3d: {  	s31 =	sand.u32 $0x1, s13;
	v1 =	vld [tilespmem:s19+$0x0];
	s20 =	sadd.s32 $0x0, s18  }
0x3e: {  	v2 =	vld [tilespmem:s19+$0x10];
	s17 =	smul.u32 $0x10200, s31;
	[tilespmem:s20+$0x3870 ss:$0x81] =	vst.msk $0xffff, v0  }
0x3f: {  	[tilespmem:s20+$0x810 ss:$0x81] =	vst.msk $0xffff, v3;
	v3 =	vld [tilespmem:s19+$0x20]  }
0x40: {  	s17 =	sshrl.u32 s17, $0x2;
	v0 =	vld [tilespmem:s19+$0xFFFFFFC0];
	[tilespmem:s20+$0x1020 ss:$0x81] =	vst.msk $0xffff, v4;
	s19 =	sadd.s32 $0x80, s19  }
0x41: {  	s21 =	simm.s32 $0x4;
	s22 =	simm.s32 $0x8;
	s17 =	sor.u32 $0x8000, s17;
	[tilespmem:s20+$0x1830 ss:$0x81] =	vst.msk $0xffff, v5;
	v4 =	vld [tilespmem:s19+$0x30]  }
.LBB1_3:
0x42: {  	p1 =	sne.s32 s22, $0x1FC;
	v5 =	vld [tilespmem:s19+$0xFFFFFFD0];
	[tilespmem:s20+$0x2040 ss:$0x81] =	vst.msk $0xffff, v1  }
0x43: {  	v6 =	vld [tilespmem:s19+$0xFFFFFFE0];
	[tilespmem:s20+$0x2850 ss:$0x81] =	vst.msk $0xffff, v2  }
0x44: {  	s23 =	sshra.s32 s21, $0x2;
	s21 =	smov.u32 s22;
	v7 =	vld [tilespmem:s19+$0xFFFFFFF0];
	[tilespmem:s20+$0x3060 ss:$0x81] =	vst.msk $0xffff, v3  }
.Ltmp3:
0x45: {  	v1 =	vld [tilespmem:s19+$0x0];
	[tilespmem:s20+$0x0 ss:$0x81] =	vst.msk $0xffff, v0;
	s20 =	sadd.s32 s23, s18;
	(pc) =	sbr.rel @p1 .LBB1_3-.Ltmp3, $4  }
0x46: {  	v2 =	vld [tilespmem:s19+$0x10];
	[tilespmem:s20+$0x3870 ss:$0x81] =	vst.msk $0xffff, v4  }
0x47: {  	[tilespmem:s20+$0x810 ss:$0x81] =	vst.msk $0xffff, v5;
	v3 =	vld [tilespmem:s19+$0x20]  }
0x48: {  	v0 =	vld [tilespmem:s19+$0xFFFFFFC0];
	[tilespmem:s20+$0x1020 ss:$0x81] =	vst.msk $0xffff, v6;
	s19 =	sadd.s32 $0x80, s19  }
0x49: {  	s22 =	sadd.s32 $0x4, s22;
	v4 =	vld [tilespmem:s19+$0x30];
	[tilespmem:s20+$0x1830 ss:$0x81] =	vst.msk $0xffff, v7  }
.Ltmp4:
0x4a: {  	_ = 	snop;
	(pc) =	sbr.rel .LBB1_4-.Ltmp4, $1  }
0x4b: {  	_ =	sdelay $0x3  }
.LBB1_6:
0x4c: {  	_ =	sfence.sel $0x180000  }
0x4d: {  	s2 =	simm.s32 $0x1;
	[bflag:$0x0] =	sbarrier.arrive $0xFFFF  }
0x4e: {  	s31 =	simm.s32 $0x2;
	[sflag:s2] =	ssyncpa.u1 $0x1  }
0x4f: {  	[sflag:s31] =	ssyncpa.u1 $0x1  }
0x50: {  	p0 =	sne.s32 s0, $0x0;
	_ =	strace $0x90000047  }
0x51: {  	s0 =	sadd.s32 @!p0 $0x100000, s1;
	[bflag:$0x2] =	sbarrier.arrive $0xFFFF  }
0x52: {  	[sflag:s0] =	ssyncadd.tile.s32 @!p0 $0x1;
	_ =	shalt  }
.Lfunc_end1:
_tile_overlayer_lowered:
.L_overlay_start_2:
0x53: {  	(tag) =	ssettag $0x2  }
0x54: {  	s0 =	rddreg [dreg:$0x0];
	s2 =	stileid.u32  }
0x55: {  	s1 =	rddreg [dreg:$0x1];
	p0 =	sne.s32 s2, $0x0  }
0x56: {  	s3 =	rddreg [dreg:$0x2];
	[bflag:$0x3] =	sbarrier.arrive $0xFFFF;
	s2 =	simm.s32 @!p0 $0x1C01  }
0x57: {  	[timem:s3], [sflag:s2] =	dma.local @!p0 [hbm:s0], s1  }
0x58: {  	s0 =	simm.s32 @!p0 $0x1  }
0x59: {  	_ =	swait.ge @!p0 [sflag:s0], s1  }
0x5a: {  	s1 =	ssub.s32 @!p0 $0x0, s1;
	[sflag:s0] =	ssyncset.done @!p0 $0x0  }
0x5b: {  	[sflag:s0] =	ssyncadd.s32 @!p0 s1  }
0x5c: {  	[bflag:$0x3] =	sbarrier.arrive $0xFFFF  }
0x5d: {  	_ =	shalt  }

// kernel: sparse-core-data-format-call.cloned.1.call-start
scs
called_computation_lowered:
.L_overlay_start_0:
0x0: {  	s2 =	sld [smem:$0x3FD9]  }
0x1: {  	s3 =	sld [smem:$0x3FFE];
	_ =	sdelay $0x1  }
0x2: {  	s1 =	srdreg.scid  }
0x3: {  	s0 =	sand.u32 $0x1, s1  }
0x4: {  	s18 =	sshll.u32 s0, $0xA;
	s2 =	sadd.s32 s3, s2  }
0x5: {  	s2 =	sadd.s32 s2, s18  }
0x6: {  	[smem:$0x3FC3] =	sst s2  }
0x7: {  	_ = 	snop  }
0x8: {  	s19 =	sld [smem:$0x3FC6];
	(tm) =	ssettm $0x1  }
0x9: {  	s20 =	sld [smem:$0x3FFB];
	_ =	sdelay $0x3  }
0xa: {  	_ =	strace s20  }
0xb: {  	s2 =	sld [smem:$0x3FFC];
	_ =	sdelay $0x3  }
0xc: {  	_ =	strace s2  }
0xd: {  	s2 =	sld [smem:$0x3FFD];
	_ =	sdelay $0x3  }
0xe: {  	_ =	strace s2  }
0xf: {  	_ =	strace $0x8FFFFFFF  }
0x10: {  	s21 =	sld [smem:$0x3FDB];
	_ =	sdelay $0x1  }
0x11: {  	s4 =	simm.s32 $_scs_section_size  }
0x12: {  	s5 =	simm.s32 $_size__tile_overlayer_lowered;
	s6 =	simm.s32 $_tile_overlayer_lowered  }
0x13: {  	s7 =	simm.s32 $0x1BFF;
	s22 =	sshll.u32 s6, $0x1;
	s4 =	sadd.s32 s4, s21  }
0x14: {  	s23 =	simm.s32 $0x0;
	s5 =	sshll.u32 s5, $0x1;
	s6 =	sadd.s32 s22, s4  }
0x15: {  	[timem:s23], [sflag:s7] =	dma.local [hbm:s6], s5  }
0x16: {  	_ =	swait.ge [sflag:s7], s5  }
0x17: {  	s5 =	ssub.s32 $0x0, s5;
	[sflag:s7] =	ssyncset.done $0x0  }
0x18: {  	[sflag:s7] =	ssyncadd.s32 s5;
	_ =	sdelay $0x1  }
0x19: {  	s24 =	simm.s32 $0x1B8B  }
0x1a: {  	_ =	swait.ge [sflag:s24], $0x1  }
0x1b: {  	[sflag:s24] =	ssyncset.done $0x0  }
0x1c: {  	[sflag:s24] =	ssyncadd.s32 $0xFFFFFFFF  }
0x1d: {  	s5 =	sld [smem:$0x0]  }
0x1e: {  	s6 =	sand.u32 $0xFFFFFFFE, s1  }
0x1f: {  	p0 =	sne.s32 s1, s6  }
0x20: {  	s6 =	sshll.u32 @p0 s6, $0xE  }
0x21: {  	s6 =	sadd.s32 @p0 $0x11B8D, s6;
	s7 =	sshll.u32 @p0 s5, $0x11  }
0x22: {  	s6 =	sor.u32 @p0 s7, s6  }
0x23: {  	[sflag:s6] =	ssyncadd.remote.s32 @p0 $0x1;
	_ =	sdelay $0x1  }
0x24: {  	s6 =	simm.s32 @p0 $0x1B8D  }
0x25: {  	_ =	swait.eq @p0 [sflag:s6], $0x1  }
0x26: {  	[sflag:s6] =	ssyncadd.s32 @p0 $0xFFFFFFFF  }
0x27: {  	s7 =	sshll.u32 @!p0 s1, $0xE  }
0x28: {  	s7 =	sor.u32 @!p0 $0x4000, s7;
	s6 =	simm.s32 @!p0 $0x1B8D  }
0x29: {  	s5 =	sshll.u32 @!p0 s5, $0x11;
	s7 =	sadd.s32 @!p0 $0x11B8D, s7;
	_ =	swait.eq @!p0 [sflag:s6], $0x1  }
0x2a: {  	s5 =	sor.u32 @!p0 s5, s7;
	[sflag:s6] =	ssyncadd.s32 @!p0 $0xFFFFFFFF  }
0x2b: {  	s26 =	simm.s32 $0x1B8E;
	s25 =	sld [smem:$0x3FFE];
	[sflag:s5] =	ssyncadd.remote.s32 @!p0 $0x1  }
0x2c: {  	s27 =	simm.s32 $execute0_lowered;
	[smem:$0x3FD2] =	sst s26  }
0x2d: {  	s6 =	sshll.u32 s27, $0x1;
	_ =	strace $0x80000049;
	[dreg:$0x1] =	wrdreg $0xFFFFFFFF  }
0x2e: {  	s28 =	simm.s32 $_size_execute0_lowered;
	s4 =	sadd.s32 s4, s6;
	[dreg:$0x0] =	wrdreg $0x0  }
0x2f: {  	s6 =	sshll.u32 s28, $0x1;
	[dreg:$0x2] =	wrdreg s4  }
0x30: {  	[dreg:$0x3] =	wrdreg s6  }
0x31: {  	[dreg:$0x4] =	wrdreg $0xC0  }
0x32: {  	_ =	task [dreg:s23], $0x5FFFF  }
0x33: {  	[dreg:$0x1] =	wrdreg $0xFFFFFFFF  }
0x34: {  	[dreg:$0x0] =	wrdreg $0x60  }
0x35: {  	[dreg:$0x2] =	wrdreg s19  }
0x36: {  	[dreg:$0x3] =	wrdreg s25  }
0x37: {  	[dreg:$0x4] =	wrdreg $0x9  }
0x38: {  	_ =	task.clear_ibuf [dreg:s23], $0x5FFFF;
	_ =	strace $0x90000049  }
0x39: {  	s29 =	simm.s32 $0x9;
	_ =	strace $0x8000004B  }
0x3a: {  	_ =	swait.ge [sflag:s29], $0x1  }
0x3b: {  	[sflag:s29] =	ssyncadd.s32 $0xFFFFFFFF  }
0x3c: {  	_ =	strace $0x9000004B  }
0x3d: {  	_ =	sfence  }
0x3e: {  	s30 =	sld [smem:$0x0];
	_ =	sdelay $0x2  }
0x3f: {  	s31 =	sshll.u32 s1, $0xD;
	s1 =	sshrl.u32 s1, $0x2  }
0x40: {  	s4 =	sand.u32 $0x4000, s31;
	s1 =	sadd.s32 s1, s30  }
0x41: {  	s0 =	sor.u32 s4, s0;
	s1 =	sshll.u32 s1, $0x11  }
0x42: {  	s0 =	sor.u32 s1, s0  }
0x43: {  	s0 =	sadd.s32 $0x8F2B, s0  }
0x44: {  	[sflag:s0] =	ssyncadd.remote.s32 $0x1  }
0x45: {  	_ =	sfence.sel $0xFFFF  }
0x46: {  	[dreg:$0x0] =	wrdreg $0xFFFFFFFF;
	(pc) =	sbr.abs _section_cstart, $3  }
0x47: {  	[dreg:$0x1] =	wrdreg $0xFFFFFFFF  }
0x48: {  	_ =	task.clear_ibuf [dreg:s23], $0x2FFFF;
	_ =	strace $0x9FFFFFFF  }
0x49: {  	(tm) =	ssettm $0x7FFFFFFF  }
tec
execute0_lowered:
.L_overlay_start_1:
0x0: {  	(tag) =	ssettag $0x1  }
0x1: {  	s0 =	srdreg.scid;
	s2 =	rddreg [dreg:$0x0]  }
0x2: {  	s5 =	rddreg [dreg:$0x1];
	s7 =	simm.s32 $0x1;
	s1 =	sshll.u32 s0, $0x4  }
0x3: {  	s8 =	simm.s32 $0x2;
	s0 =	stileid.u32;
	s1 =	sand.u32 $0x10, s1  }
0x4: {  	s14 =	simm.s32 $0x0;
	s9 =	simm.s32 $0x0;
	s1 =	sor.u32 s0, s1  }
0x5: {  	s15 =	simm.s32 $0x0;
	s16 =	simm.s32 $0x0;
	s3 =	sshll.u32 s1, $0x1  }
0x6: {  	s10 =	simm.s32 $0x0;
	s11 =	simm.s32 $0x0;
	s6 =	ssub.s32 $0x100, s3  }
0x7: {  	s13 =	simm.s32 $0x0;
	s23 =	simm.s32 $0x0;
	s4 =	sand.u32 $0x3E, s6  }
.Ltmp0:
0x8: {  	s5 =	sadd.s32 $0x101800, s5;
	p0 =	sne.s32 s4, $0x0;
	(pc) =	sbr.rel .LBB1_1-.Ltmp0, $4  }
0x9: {  	s1 =	rddreg [dreg:$0x2];
	s6 =	sshrl.u32 s6, $0x6;
	s7 =	simm.s32 @!p0 $0x0  }
0xa: {  	_ =	strace $0x8000004A;
	s4 =	simm.s32 $0x1;
	s6 =	sadd.s32 s7, s6  }
0xb: {  	s12 =	smov.u32 s3;
	[sflag:s4] =	ssyncpa.u1 $0x0;
	s6 =	sshll.u32 s6, $0x2  }
0xc: {  	[sflag:s8] =	ssyncpa.u1 $0x0;
	s8 =	simm.s32 $0x20000;
	s7 =	sor.u32 $0x1, s6  }
.LBB1_7:
0xd: {  	s17 =	sadd.s32 $0x80, s10  }
0xe: {  	s14 =	sadd.s32 $0x40, s11;
	s18 =	smov.u32 s11;
	p1 =	sgt.s32 s17, $0x1FF  }
0xf: {  	s18 =	smov.u32 @p1 s14  }
0x10: {  	s20 =	smov.u32 s12;
	s14 =	sadd.s32 $0x40, s12;
	p2 =	sgt.s32 s18, $0x3F  }
0x11: {  	s20 =	smov.u32 @p2 s14  }
0x12: {  	s17 =	simm.s32 @p1 $0x0;
	p1 =	sgt.s32 s20, $0xFF  }
0x13: {  	p0 =	slt.u32 s13, $0x2;
	s20 =	smov.u32 @p1 s3;
	p1 =	sne.s32 s13, s7  }
.Ltmp1:
0x14: {  	s19 =	simm.s32 @!p0 $0x2;
	(pc) =	sbr.rel @!p1 .LBB1_8-.Ltmp1, $4  }
0x15: {  	s15 =	smov.u32 s11;
	s16 =	smov.u32 s12;
	_ =	swait.ge @!p0 [sflag:s19], $0x4000  }
0x16: {  	s9 =	sadd.s32 $0x4000, s9;
	[sflag:s19] =	ssyncset.done @!p0 $0x0;
	s18 =	simm.s32 @p2 $0x0  }
0x17: {  	s14 =	smov.u32 s10;
	[sflag:s19] =	ssyncadd.s32 @!p0 $0xFFFFC000;
	s10 =	smov.u32 s17  }
0x18: {  	s11 =	smov.u32 s18;
	s13 =	sadd.s32 $0x1, s13;
	s12 =	smov.u32 s20  }
.LBB1_1:
0x19: {  	p0 =	sge.u32 s13, s6  }
0x1a: {  	s31 =	sadd.s32 $0xFFFFFFFF, s13;
	s17 =	sxor.u32 @!p0 $0xFFFFFFFF, s13  }
0x1b: {  	s18 =	sshll.u32 @!p0 s11, $0x9;
	s19 =	sshll.u32 @!p0 s10, $0x3;
	s20 =	sshll.u32 @!p0 s11, $0x7  }
0x1c: {  	s21 =	sand.u32 @!p0 $0x78, s10;
	s18 =	sand.u32 @!p0 $0x7000, s18;
	s19 =	sand.u32 @!p0 $0x7C00, s19  }
0x1d: {  	s17 =	sshll.u32 @!p0 s17, $0xE;
	s18 =	sadd.s32 @!p0 s18, s19;
	s19 =	sand.u32 @!p0 $0x200, s20  }
0x1e: {  	s17 =	sand.u32 @!p0 $0x4000, s17;
	s18 =	sor.u32 @!p0 s19, s18;
	s19 =	sand.u32 @!p0 $0x180, s20  }
0x1f: {  	s20 =	sshll.u32 @!p0 s12, $0xC;
	s19 =	sor.u32 @!p0 s21, s19;
	s18 =	sshrl.u32 @!p0 s18, $0x3  }
0x20: {  	s20 =	sadd.s32 @!p0 s2, s20;
	s21 =	sand.u32 @!p0 $0x7, s10;
	s19 =	sshrl.u32 @!p0 s19, $0x3  }
0x21: {  	s18 =	sand.u32 @!p0 $0xFC0, s18;
	s19 =	sadd.s32 @!p0 s19, s20;
	s20 =	sshll.u32 @!p0 s21, $0x12  }
0x22: {  	s18 =	sadd.s32 @!p0 s18, s19;
	s19 =	sor.u32 @!p0 $0x400, s20;
	s20 =	simm.s32 @!p0 $0x1000  }
0x23: {  	[tilespmem:s17], [sflag:$0x1] =	stream.strided.gather @!p0 [hbm4b:s18+s19], $0x4000, s20, s19, $0x38;
	[tilespmem:$0x10000] =	vst v63  }
0x24: {  	p0 =	sge.u32 s31, s6  }
.Ltmp2:
0x25: {  	_ = 	snop;
	(pc) =	sbr.rel @p0 .LBB1_7-.Ltmp2, $1  }
0x26: {  	_ =	sdelay $0x3  }
0x27: {  	s17 =	sshll.u32 s9, $0x2  }
0x28: {  	_ =	swait.ge [sflag:s4], $0x4000;
	s18 =	sshll.u32 s13, $0xE;
	s20 =	simm.s32 $0x0  }
0x29: {  	p1 =	por $0x1, $0x1;
	s17 =	sand.u32 $0x10000, s17;
	[sflag:s4] =	ssyncset.done $0x0  }
0x2a: {  	s18 =	sand.u32 $0x4000, s18;
	s19 =	sshrl.u32 s17, $0x2;
	[sflag:s4] =	ssyncadd.s32 $0xFFFFC000  }
0x2b: {  	s17 =	sor.u32 $0x8000, s18;
	s18 =	sadd.s32 $0x8040, s19;
	s19 =	sadd.s32 $0x40, s19  }
.LBB1_3:
0x2c: {  	s21 =	sshll.u32 s20, $0xD  }
0x2d: {  	s21 =	sand.u32 $0x3FFFE000, s21  }
0x2e: {  	s21 =	sadd.s32 s21, s19  }
0x2f: {  	v0 =	vmov s21;
	_ =	sdelay $0x4  }
0x30: {  	v6 =	vld.idx.msk [tilespmem:v0+s23+$0x30 ss:$0x1], $0xffff  }
0x31: {  	v7 =	vld.idx.msk [tilespmem:v0+s23+$0xFFFFFFC0 ss:$0x1], $0xffff  }
0x32: {  	v1 =	vld.idx.msk [tilespmem:v0+s23+$0xFFFFFFD0 ss:$0x1], $0xffff  }
0x33: {  	s31 =	sshll.u32 s20, $0x7;
	v2 =	vld.idx.msk [tilespmem:v0+s23+$0xFFFFFFE0 ss:$0x1], $0xffff  }
0x34: {  	s20 =	sand.u32 $0x3FFFFF80, s31;
	v3 =	vld.idx.msk [tilespmem:v0+s23+$0xFFFFFFF0 ss:$0x1], $0xffff  }
0x35: {  	s20 =	sadd.s32 s20, s18;
	v4 =	vld.idx.msk [tilespmem:v0+s23+$0x0 ss:$0x1], $0xffff  }
0x36: {  	v5 =	vld.idx.msk [tilespmem:v0+s23+$0x10 ss:$0x1], $0xffff;
	[tilespmem:s20+$0x30] =	vst v6  }
0x37: {  	p0 =	por p1, p1;
	s22 =	simm.s32 $0x400;
	s21 =	simm.s32 $0x80;
	[tilespmem:s20+$0xFFFFFFC0] =	vst v7;
	v6 =	vld.idx.msk [tilespmem:v0+s23+$0x20 ss:$0x1], $0xffff  }
.LBB1_4:
0x38: {  	p1 =	sne.s32 s22, $0x7E00;
	v7 =	vld.idx.msk [tilespmem:v0+s21+$0x30 ss:$0x1], $0xffff;
	[tilespmem:s20+$0xFFFFFFD0] =	vst v1  }
0x39: {  	v8 =	vld.idx.msk [tilespmem:v0+s21+$0xFFFFFFC0 ss:$0x1], $0xffff;
	[tilespmem:s20+$0xFFFFFFE0] =	vst v2  }
0x3a: {  	v1 =	vld.idx.msk [tilespmem:v0+s21+$0xFFFFFFD0 ss:$0x1], $0xffff;
	[tilespmem:s20+$0xFFFFFFF0] =	vst v3  }
.Ltmp3:
0x3b: {  	v2 =	vld.idx.msk [tilespmem:v0+s21+$0xFFFFFFE0 ss:$0x1], $0xffff;
	[tilespmem:s20+$0x0] =	vst v4;
	(pc) =	sbr.rel @p1 .LBB1_4-.Ltmp3, $4  }
0x3c: {  	v3 =	vld.idx.msk [tilespmem:v0+s21+$0xFFFFFFF0 ss:$0x1], $0xffff;
	[tilespmem:s20+$0x10] =	vst v5  }
0x3d: {  	v4 =	vld.idx.msk [tilespmem:v0+s21+$0x0 ss:$0x1], $0xffff;
	[tilespmem:s20+$0x20] =	vst v6;
	s20 =	sadd.s32 $0x100, s20  }
0x3e: {  	v5 =	vld.idx.msk [tilespmem:v0+s21+$0x10 ss:$0x1], $0xffff;
	[tilespmem:s20+$0x30] =	vst v7  }
0x3f: {  	[tilespmem:s20+$0xFFFFFFC0] =	vst v8;
	v6 =	vld.idx.msk [tilespmem:v0+s21+$0x20 ss:$0x1], $0xffff;
	s21 =	sshra.s32 s22, $0x2;
	s22 =	sadd.s32 $0x200, s22  }
0x40: {  	_ =	sdelay $0x2  }
0x41: {  	[tilespmem:s20+$0xFFFFFFD0] =	vst v1  }
0x42: {  	v56 =	vld.idx.msk [tilespmem:v0+s21+$0x30 ss:$0x1], $0xffff;
	[tilespmem:s20+$0xFFFFFFE0] =	vst v2  }
0x43: {  	v57 =	vld.idx.msk [tilespmem:v0+s21+$0xFFFFFFC0 ss:$0x1], $0xffff;
	[tilespmem:s20+$0xFFFFFFF0] =	vst v3  }
0x44: {  	v58 =	vld.idx.msk [tilespmem:v0+s21+$0xFFFFFFD0 ss:$0x1], $0xffff;
	[tilespmem:s20+$0x0] =	vst v4  }
0x45: {  	v59 =	vld.idx.msk [tilespmem:v0+s21+$0xFFFFFFE0 ss:$0x1], $0xffff;
	[tilespmem:s20+$0x10] =	vst v5  }
0x46: {  	v60 =	vld.idx.msk [tilespmem:v0+s21+$0xFFFFFFF0 ss:$0x1], $0xffff;
	s31 =	sadd.s32 $0x100, s20;
	[tilespmem:s20+$0x20] =	vst v6  }
0x47: {  	v61 =	vld.idx.msk [tilespmem:v0+s21+$0x0 ss:$0x1], $0xffff;
	[tilespmem:s31+$0x30] =	vst v56  }
0x48: {  	v62 =	vld.idx.msk [tilespmem:v0+s21+$0x10 ss:$0x1], $0xffff;
	[tilespmem:s31+$0xFFFFFFC0] =	vst v57  }
0x49: {  	v63 =	vld.idx.msk [tilespmem:v0+s21+$0x20 ss:$0x1], $0xffff;
	[tilespmem:s31+$0xFFFFFFD0] =	vst v58  }
.Ltmp4:
0x4a: {  	[tilespmem:s31+$0xFFFFFFE0] =	vst v59;
	(pc) =	sbr.rel @p0 .LBB1_3-.Ltmp4, $4  }
0x4b: {  	[tilespmem:s31+$0xFFFFFFF0] =	vst v60  }
0x4c: {  	[tilespmem:s31+$0x0] =	vst v61  }
0x4d: {  	[tilespmem:s31+$0x10] =	vst v62  }
0x4e: {  	p1 =	por $0x0, $0x0;
	s20 =	simm.s32 $0x1;
	[tilespmem:s31+$0x20] =	vst v63  }
0x4f: {  	s18 =	sshll.u32 s16, $0x9;
	s19 =	sshll.u32 s14, $0x3  }
0x50: {  	s29 =	sshll.u32 s16, $0x7;
	s20 =	sand.u32 $0x78, s14;
	s15 =	sshll.u32 s15, $0xE  }
0x51: {  	s31 =	sand.u32 $0x7, s14;
	s18 =	sand.u32 $0x1F000, s18;
	s19 =	sand.u32 $0x1FC00, s19  }
0x52: {  	s30 =	sand.u32 $0x200, s29;
	s16 =	sand.u32 $0x180, s29;
	s18 =	sadd.s32 s18, s19  }
.Ltmp5:
0x53: {  	s16 =	sor.u32 s16, s20;
	s18 =	sor.u32 s30, s18;
	(pc) =	sbr.rel .LBB1_7-.Ltmp5, $4  }
0x54: {  	s15 =	sadd.s32 s5, s15;
	s16 =	sshrl.u32 s16, $0x3;
	s18 =	sshrl.u32 s18, $0x3  }
0x55: {  	s14 =	sshll.u32 s31, $0x12;
	s15 =	sadd.s32 s16, s15;
	s18 =	sand.u32 $0x3FC0, s18  }
0x56: {  	s14 =	sor.u32 $0x100, s14;
	s15 =	sadd.s32 s18, s15  }
0x57: {  	[hbm4b:s15+s14] =	stream.strided.scatter [tilespmem:s17], [sflag:$0x2], $0x4000, s8, s14, $0x38;
	[tilespmem:$0x10000] =	vst v63  }
.LBB1_8:
0x58: {  	_ =	sfence.sel $0x180000  }
0x59: {  	s2 =	simm.s32 $0x1;
	[bflag:$0x0] =	sbarrier.arrive $0xFFFF  }
0x5a: {  	s31 =	simm.s32 $0x2;
	[sflag:s2] =	ssyncpa.u1 $0x1  }
0x5b: {  	[sflag:s31] =	ssyncpa.u1 $0x1  }
0x5c: {  	p0 =	sne.s32 s0, $0x0;
	_ =	strace $0x9000004A  }
0x5d: {  	s0 =	sadd.s32 @!p0 $0x100000, s1;
	[bflag:$0x2] =	sbarrier.arrive $0xFFFF  }
0x5e: {  	[sflag:s0] =	ssyncadd.tile.s32 @!p0 $0x1;
	_ =	shalt  }
.Lfunc_end1:
_tile_overlayer_lowered:
.L_overlay_start_2:
0x5f: {  	(tag) =	ssettag $0x2  }
0x60: {  	s0 =	rddreg [dreg:$0x0];
	s2 =	stileid.u32  }
0x61: {  	s1 =	rddreg [dreg:$0x1];
	p0 =	sne.s32 s2, $0x0  }
0x62: {  	s3 =	rddreg [dreg:$0x2];
	[bflag:$0x3] =	sbarrier.arrive $0xFFFF;
	s2 =	simm.s32 @!p0 $0x1C01  }
0x63: {  	[timem:s3], [sflag:s2] =	dma.local @!p0 [hbm:s0], s1  }
0x64: {  	s0 =	simm.s32 @!p0 $0x1  }
0x65: {  	_ =	swait.ge @!p0 [sflag:s0], s1  }
0x66: {  	s1 =	ssub.s32 @!p0 $0x0, s1;
	[sflag:s0] =	ssyncset.done @!p0 $0x0  }
0x67: {  	[sflag:s0] =	ssyncadd.s32 @!p0 s1  }
0x68: {  	[bflag:$0x3] =	sbarrier.arrive $0xFFFF  }
0x69: {  	_ =	shalt  }

</sc_bundles>
